<compile_context>
chip_gen: v7x
topology: tpu7x:2x2x1
jax: 0.10.2.dev20260603
libtpu: 0.0.44.dev20260713+nightly
codegen_flags: <defaults>
</compile_context>

<pallas_src>
import functools

import jax
import jax.numpy as jnp
from jax import lax
from jax.experimental import pallas as pl
from jax.experimental.pallas import tpu as pltpu
from jax.experimental.pallas import tpu_sc as plsc

EMB_DIM = 128
PART = EMB_DIM // 3
OFF_DIM = EMB_DIM - 2 * PART

B = 16384
NC, NS, LANES = 2, 16, 16
NW = NC * NS
ROWS_PER_W = B // NW
CHUNK = 64
NCH = ROWS_PER_W // CHUNK
N_FUSED = 2 * 7 * 200
N_FUSED_PAD = 2816
STAGE = N_FUSED_PAD // NS


def _sc_embed(idx_s, idx_d, idx_o, fused_table):
    mesh = plsc.VectorSubcoreMesh(core_axis_name="c", subcore_axis_name="s")

    @functools.partial(
        pl.kernel,
        out_type=jax.ShapeDtypeStruct((B, EMB_DIM), jnp.float32),
        mesh=mesh,
        scratch_types=[
            pltpu.VMEM((ROWS_PER_W,), jnp.int32),
            pltpu.VMEM((ROWS_PER_W,), jnp.int32),
            pltpu.VMEM((ROWS_PER_W,), jnp.int32),
            pltpu.VMEM((ROWS_PER_W,), jnp.int32),
            pltpu.VMEM((NCH, CHUNK, EMB_DIM), jnp.float32),
            pltpu.VMEM_SHARED((N_FUSED_PAD, EMB_DIM), jnp.float32),
            pltpu.SemaphoreType.DMA,
            pltpu.SemaphoreType.DMA,
            pltpu.SemaphoreType.DMA,
        ],
    )
    def body(idx_s_hbm, idx_d_hbm, idx_o_hbm, ft_hbm, out_hbm,
             idx_sv, idx_dv, idx_ov, idx_fv, comb, sft, sem_i, sem_g, sem_w):
        sid = lax.axis_index("s")
        wid = sid * NC + lax.axis_index("c")
        base = wid * ROWS_PER_W
        ci = [pltpu.async_copy(idx_s_hbm.at[pl.ds(base, ROWS_PER_W)], idx_sv,
                               sem_i),
              pltpu.async_copy(idx_d_hbm.at[pl.ds(base, ROWS_PER_W)], idx_dv,
                               sem_i),
              pltpu.async_copy(idx_o_hbm.at[pl.ds(base, ROWS_PER_W)], idx_ov,
                               sem_i)]
        st = pltpu.async_copy(ft_hbm.at[pl.ds(sid * STAGE, STAGE)],
                              sft.at[pl.ds(sid * STAGE, STAGE)], sem_g)
        for c in ci:
            c.wait()

        def fuse(k, carry):
            sl = pl.ds(pl.multiple_of(k * LANES, LANES), LANES)
            idx_fv[sl] = (idx_sv[sl] * (7 * 200) + idx_dv[sl] * 200) + idx_ov[sl]
            return carry

        lax.fori_loop(0, ROWS_PER_W // LANES, fuse, 0)

        st.wait()
        plsc.subcore_barrier()
        gs = [pltpu.async_copy(sft.at[idx_fv.at[pl.ds(j * CHUNK, CHUNK)]],
                               comb.at[j], sem_g)
              for j in range(NCH)]
        ws = []
        for j in range(NCH):
            gs[j].wait()
            ws.append(pltpu.async_copy(
                comb.at[j], out_hbm.at[pl.ds(base + j * CHUNK, CHUNK), :],
                sem_w))
        for w in ws:
            w.wait()

    return body(idx_s, idx_d, idx_o, fused_table)


@jax.jit
def kernel(scale_conditions, distortion_conditions, offset_conditions,
           scale_table, distortion_table, offset_table):
    idx_s = scale_conditions.astype(jnp.int32)
    idx_d = distortion_conditions.astype(jnp.int32)
    idx_o = offset_conditions.astype(jnp.int32)
    s_b = jnp.broadcast_to(scale_table[:, None, None, :], (2, 7, 200, PART))
    d_b = jnp.broadcast_to(distortion_table[None, :, None, :], (2, 7, 200, PART))
    o_b = jnp.broadcast_to(offset_table[None, None, :, :], (2, 7, 200, OFF_DIM))
    fused_table = jnp.concatenate([s_b, d_b, o_b], axis=-1).reshape(
        N_FUSED, EMB_DIM)
    fused_table = jnp.pad(fused_table, ((0, N_FUSED_PAD - N_FUSED), (0, 0)))
    return _sc_embed(idx_s, idx_d, idx_o, fused_table)

# --- scband reference (transcript-rebuilt; emitter-appended) ---
"""Pipeline reference for scband-conditional-embedding-78881369358490 (READ-ONLY COPY).

The authoritative reference and input builder live on the scoring server;
editing this copy changes nothing except your own understanding.
"""

import jax, jax.numpy as jnp
import numpy as np

EMB_DIM = 128
PART = EMB_DIM // 3  # 42
OFF_DIM = EMB_DIM - 2 * PART  # 44

def setup_inputs(seed: int = 0) -> dict:
    key = jax.random.key(seed)
    k1, k2, k3, k4, k5, k6 = jax.random.split(key, 6)
    B = 16384
    scale_conditions = jax.random.randint(k1, (B,), 0, 2, dtype=jnp.int64) if jax.config.jax_enable_x64 else jax.random.randint(k1, (B,), 0, 2, dtype=jnp.int32)
    distortion_conditions = jax.random.randint(k2, (B,), 0, 7, dtype=jnp.int32)
    offset_conditions = jax.random.randint(k3, (B,), 0, 200, dtype=jnp.int32)
    scale_table = jax.random.normal(k4, (2, PART), dtype=jnp.float32)
    distortion_table = jax.random.normal(k5, (7, PART), dtype=jnp.float32)
    offset_table = jax.random.normal(k6, (200, OFF_DIM), dtype=jnp.float32)
    return {
        "scale_conditions": scale_conditions,
        "distortion_conditions": distortion_conditions,
        "offset_conditions": offset_conditions,
        "scale_table": scale_table,
        "distortion_table": distortion_table,
        "offset_table": offset_table,
    }

def reference(scale_conditions, distortion_conditions, offset_conditions, scale_table, distortion_table, offset_table):
    scale_emb = jnp.take(scale_table, scale_conditions, axis=0)
    distortion_emb = jnp.take(distortion_table, distortion_conditions, axis=0)
    offset_emb = jnp.take(offset_table, offset_conditions, axis=0)
    return jnp.concatenate([scale_emb, distortion_emb, offset_emb], axis=-1)

if __name__ == "__main__":
    import jax
    _d = setup_inputs()
    print(jax.jit(kernel)(*tuple(_d.values())))

</pallas_src>

<mosaic_0001>
#map = affine_map<(d0, d1) -> (0)>
#map1 = affine_map<(d0, d1) -> (0, 0)>
module attributes {stable_mosaic.version = 14 : i64} {
  func.func @body(%arg0: i32, %arg1: i32, %arg2: memref<16384xi32, #tpu.memory_space<hbm>>, %arg3: memref<16384xi32, #tpu.memory_space<hbm>>, %arg4: memref<16384xi32, #tpu.memory_space<hbm>>, %arg5: memref<2816x128xf32, #tpu.memory_space<hbm>>, %arg6: memref<16384x128xf32, #tpu.memory_space<hbm>>, %arg7: memref<512xi32, #tpu.memory_space<vmem>>, %arg8: memref<512xi32, #tpu.memory_space<vmem>>, %arg9: memref<512xi32, #tpu.memory_space<vmem>>, %arg10: memref<512xi32, #tpu.memory_space<vmem>>, %arg11: memref<8x64x128xf32, #tpu.memory_space<vmem>>, %arg12: memref<2816x128xf32, #tpu.memory_space<vmem_shared>>, %arg13: memref<!tpu.dma_semaphore, #tpu.memory_space<semaphore_mem>>, %arg14: memref<!tpu.dma_semaphore, #tpu.memory_space<semaphore_mem>>, %arg15: memref<!tpu.dma_semaphore, #tpu.memory_space<semaphore_mem>>) attributes {dimension_semantics = [#tpu.dimension_semantics<core_parallel>, #tpu.dimension_semantics<subcore_parallel>], iteration_bounds = array<i64: 2, 16>, scalar_prefetch = 0 : i64, scratch_operands = 9 : i64, tpu.core_type = #tpu.core_type<sc_vector_subcore>, window_params = [{transform_indices = #map}, {transform_indices = #map}, {transform_indices = #map}, {transform_indices = #map1}, {transform_indices = #map1}]} {
    %mul3A = arith.constant 2 : i32
    %mul3A_0 = arith.muli %arg1, %mul3A : i32
    %add3A = arith.addi %mul3A_0, %arg0 : i32
    %mul3A_1 = arith.constant 512 : i32
    %mul3A_2 = arith.muli %add3A, %mul3A_1 : i32
    %dma_start3A = tpu.memref_slice %arg2[%mul3A_2] : memref<16384xi32, #tpu.memory_space<hbm>> -> memref<512xi32, #tpu.memory_space<hbm>>
    %dma_start3A_3 = tpu.memref_slice %arg2[%mul3A_2] : memref<16384xi32, #tpu.memory_space<hbm>> -> memref<512xi32, #tpu.memory_space<hbm>>
    tpu.enqueue_dma source(%dma_start3A_3 : memref<512xi32, #tpu.memory_space<hbm>>) target(%arg7 : memref<512xi32, #tpu.memory_space<vmem>>) target_semaphore(%arg13 : memref<!tpu.dma_semaphore, #tpu.memory_space<semaphore_mem>>)
    %dma_start3A_4 = tpu.memref_slice %arg3[%mul3A_2] : memref<16384xi32, #tpu.memory_space<hbm>> -> memref<512xi32, #tpu.memory_space<hbm>>
    %dma_start3A_5 = tpu.memref_slice %arg3[%mul3A_2] : memref<16384xi32, #tpu.memory_space<hbm>> -> memref<512xi32, #tpu.memory_space<hbm>>
    tpu.enqueue_dma source(%dma_start3A_5 : memref<512xi32, #tpu.memory_space<hbm>>) target(%arg8 : memref<512xi32, #tpu.memory_space<vmem>>) target_semaphore(%arg13 : memref<!tpu.dma_semaphore, #tpu.memory_space<semaphore_mem>>)
    %dma_start3A_6 = tpu.memref_slice %arg4[%mul3A_2] : memref<16384xi32, #tpu.memory_space<hbm>> -> memref<512xi32, #tpu.memory_space<hbm>>
    %dma_start3A_7 = tpu.memref_slice %arg4[%mul3A_2] : memref<16384xi32, #tpu.memory_space<hbm>> -> memref<512xi32, #tpu.memory_space<hbm>>
    tpu.enqueue_dma source(%dma_start3A_7 : memref<512xi32, #tpu.memory_space<hbm>>) target(%arg9 : memref<512xi32, #tpu.memory_space<vmem>>) target_semaphore(%arg13 : memref<!tpu.dma_semaphore, #tpu.memory_space<semaphore_mem>>)
    %mul3A_8 = arith.constant 176 : i32
    %mul3A_9 = arith.muli %arg1, %mul3A_8 : i32
    %mul3A_10 = arith.constant 176 : i32
    %mul3A_11 = arith.muli %arg1, %mul3A_10 : i32
    %dma_start3A_12 = arith.constant 0 : i32
    %dma_start3A_13 = tpu.memref_slice %arg12[%mul3A_11, %dma_start3A_12] : memref<2816x128xf32, #tpu.memory_space<vmem_shared>> -> memref<176x128xf32, #tpu.memory_space<vmem_shared>>
    %dma_start3A_14 = arith.constant 0 : i32
    %dma_start3A_15 = tpu.memref_slice %arg5[%mul3A_9, %dma_start3A_14] : memref<2816x128xf32, #tpu.memory_space<hbm>> -> memref<176x128xf32, #tpu.memory_space<hbm>>
    tpu.enqueue_dma source(%dma_start3A_15 : memref<176x128xf32, #tpu.memory_space<hbm>>) target(%dma_start3A_13 : memref<176x128xf32, #tpu.memory_space<vmem_shared>>) target_semaphore(%arg14 : memref<!tpu.dma_semaphore, #tpu.memory_space<semaphore_mem>>)
    %dma_wait3A = tpu.memref_slice %arg2[%mul3A_2] : memref<16384xi32, #tpu.memory_space<hbm>> -> memref<512xi32, #tpu.memory_space<hbm>>
    %dma_wait3A_16 = tpu.memref_slice %arg2[%mul3A_2] : memref<16384xi32, #tpu.memory_space<hbm>> -> memref<512xi32, #tpu.memory_space<hbm>>
    tpu.wait_dma2 semaphore(%arg13 : memref<!tpu.dma_semaphore, #tpu.memory_space<semaphore_mem>>) src(%dma_wait3A_16 : memref<512xi32, #tpu.memory_space<hbm>>) dst(%arg7 : memref<512xi32, #tpu.memory_space<vmem>>)
    %dma_wait3A_17 = tpu.memref_slice %arg3[%mul3A_2] : memref<16384xi32, #tpu.memory_space<hbm>> -> memref<512xi32, #tpu.memory_space<hbm>>
    %dma_wait3A_18 = tpu.memref_slice %arg3[%mul3A_2] : memref<16384xi32, #tpu.memory_space<hbm>> -> memref<512xi32, #tpu.memory_space<hbm>>
    tpu.wait_dma2 semaphore(%arg13 : memref<!tpu.dma_semaphore, #tpu.memory_space<semaphore_mem>>) src(%dma_wait3A_18 : memref<512xi32, #tpu.memory_space<hbm>>) dst(%arg8 : memref<512xi32, #tpu.memory_space<vmem>>)
    %dma_wait3A_19 = tpu.memref_slice %arg4[%mul3A_2] : memref<16384xi32, #tpu.memory_space<hbm>> -> memref<512xi32, #tpu.memory_space<hbm>>
    %dma_wait3A_20 = tpu.memref_slice %arg4[%mul3A_2] : memref<16384xi32, #tpu.memory_space<hbm>> -> memref<512xi32, #tpu.memory_space<hbm>>
    tpu.wait_dma2 semaphore(%arg13 : memref<!tpu.dma_semaphore, #tpu.memory_space<semaphore_mem>>) src(%dma_wait3A_20 : memref<512xi32, #tpu.memory_space<hbm>>) dst(%arg9 : memref<512xi32, #tpu.memory_space<vmem>>)
    %scan3A = arith.constant 0 : i32
    %scan3A_21 = arith.constant 0 : i32
    %scan3A_22 = arith.constant 32 : i32
    %scan3A_23 = arith.addi %scan3A_21, %scan3A_22 : i32
    %scan3A_24 = arith.constant 1 : i32
    scf.for %scan3A_414 = %scan3A_21 to %scan3A_23 step %scan3A_24  : i32 {
      %mul3A_415 = arith.constant 16 : i32
      %mul3A_416 = arith.muli %scan3A_414, %mul3A_415 : i32
      %multiple_of3A = tpu.assume_multiple %mul3A_416, 16 : i32
      %get3A = arith.index_cast %multiple_of3A : i32 to index
      %get3A_417 = tpu.vector_load %arg7[%get3A] {strides = array<i32>} : memref<512xi32, #tpu.memory_space<vmem>>, vector<16xi32>,
      %get3A_418 = vector.shape_cast %get3A_417 : vector<16xi32> to vector<16xi32>
      %mul3A_419 = arith.constant 1400 : i32
      %mul3A_420 = vector.broadcast %mul3A_419 : i32 to vector<16xi32>
      %mul3A_421 = arith.muli %get3A_418, %mul3A_420 : vector<16xi32>
      %get3A_422 = arith.index_cast %multiple_of3A : i32 to index
      %get3A_423 = tpu.vector_load %arg8[%get3A_422] {strides = array<i32>} : memref<512xi32, #tpu.memory_space<vmem>>, vector<16xi32>,
      %get3A_424 = vector.shape_cast %get3A_423 : vector<16xi32> to vector<16xi32>
      %mul3A_425 = arith.constant 200 : i32
      %mul3A_426 = vector.broadcast %mul3A_425 : i32 to vector<16xi32>
      %mul3A_427 = arith.muli %get3A_424, %mul3A_426 : vector<16xi32>
      %add3A_428 = arith.addi %mul3A_421, %mul3A_427 : vector<16xi32>
      %get3A_429 = arith.index_cast %multiple_of3A : i32 to index
      %get3A_430 = tpu.vector_load %arg9[%get3A_429] {strides = array<i32>} : memref<512xi32, #tpu.memory_space<vmem>>, vector<16xi32>,
      %get3A_431 = vector.shape_cast %get3A_430 : vector<16xi32> to vector<16xi32>
      %add3A_432 = arith.addi %add3A_428, %get3A_431 : vector<16xi32>
      %swap3A = arith.index_cast %multiple_of3A : i32 to index
      %swap3A_433 = tpu.vector_load %arg10[%swap3A] {strides = array<i32>} : memref<512xi32, #tpu.memory_space<vmem>>, vector<16xi32>,
      %swap3A_434 = vector.shape_cast %swap3A_433 : vector<16xi32> to vector<16xi32>
      %swap3A_435 = vector.shape_cast %add3A_432 : vector<16xi32> to vector<16xi32>
      tpu.vector_store %arg10[%swap3A], %swap3A_435 {strides = array<i32>} : memref<512xi32, #tpu.memory_space<vmem>>, vector<16xi32>,
    }
    %scan3A_25 = arith.constant 32 : i32
    %dma_wait3A_26 = arith.constant 0 : i32
    %dma_wait3A_27 = tpu.memref_slice %arg12[%mul3A_11, %dma_wait3A_26] : memref<2816x128xf32, #tpu.memory_space<vmem_shared>> -> memref<176x128xf32, #tpu.memory_space<vmem_shared>>
    %dma_wait3A_28 = arith.constant 0 : i32
    %dma_wait3A_29 = tpu.memref_slice %arg5[%mul3A_9, %dma_wait3A_28] : memref<2816x128xf32, #tpu.memory_space<hbm>> -> memref<176x128xf32, #tpu.memory_space<hbm>>
    tpu.wait_dma2 semaphore(%arg14 : memref<!tpu.dma_semaphore, #tpu.memory_space<semaphore_mem>>) src(%dma_wait3A_29 : memref<176x128xf32, #tpu.memory_space<hbm>>) dst(%dma_wait3A_27 : memref<176x128xf32, #tpu.memory_space<vmem_shared>>)
    %barrier3A = arith.constant 0 : index
    tpu.barrier barrier_id(%barrier3A)
    %dma_start3A_30 = arith.constant 0 : i32
    %dma_start3A_31 = arith.constant 0 : i32
    %dma_start3A_32 = arith.constant 0 : i32
    %dma_start3A_33 = tpu.memref_slice %arg11[%dma_start3A_30, %dma_start3A_31, %dma_start3A_32] : memref<8x64x128xf32, #tpu.memory_space<vmem>> -> memref<1x64x128xf32, #tpu.memory_space<vmem>>
    %dma_start3A_34 = tpu.memref_squeeze %dma_start3A_33 : memref<1x64x128xf32, #tpu.memory_space<vmem>> -> memref<64x128xf32, #tpu.memory_space<vmem>>
    %dma_start3A_35 = arith.constant 0 : i32
    %dma_start3A_36 = tpu.memref_slice %arg10[%dma_start3A_35] : memref<512xi32, #tpu.memory_space<vmem>> -> memref<64xi32, #tpu.memory_space<vmem>>
    %dma_start3A_37 = arith.constant 0 : i32
    %dma_start3A_38 = arith.constant 0 : i32
    %dma_start3A_39 = tpu.memref_slice %arg12[%dma_start3A_37, %dma_start3A_38] : memref<2816x128xf32, #tpu.memory_space<vmem_shared>> -> memref<2816x128xf32, #tpu.memory_space<vmem_shared>>
    tpu.enqueue_indirect_dma source(%dma_start3A_39 : memref<2816x128xf32, #tpu.memory_space<vmem_shared>>) target(%dma_start3A_34 : memref<64x128xf32, #tpu.memory_space<vmem>>) offsets(%dma_start3A_36 : memref<64xi32, #tpu.memory_space<vmem>>) semaphore(%arg14 : memref<!tpu.dma_semaphore, #tpu.memory_space<semaphore_mem>>)
    %dma_start3A_40 = arith.constant 1 : i32
    %dma_start3A_41 = arith.constant 0 : i32
    %dma_start3A_42 = arith.constant 0 : i32
    %dma_start3A_43 = tpu.memref_slice %arg11[%dma_start3A_40, %dma_start3A_41, %dma_start3A_42] : memref<8x64x128xf32, #tpu.memory_space<vmem>> -> memref<1x64x128xf32, #tpu.memory_space<vmem>>
    %dma_start3A_44 = tpu.memref_squeeze %dma_start3A_43 : memref<1x64x128xf32, #tpu.memory_space<vmem>> -> memref<64x128xf32, #tpu.memory_space<vmem>>
    %dma_start3A_45 = arith.constant 64 : i32
    %dma_start3A_46 = tpu.memref_slice %arg10[%dma_start3A_45] : memref<512xi32, #tpu.memory_space<vmem>> -> memref<64xi32, #tpu.memory_space<vmem>>
    %dma_start3A_47 = arith.constant 0 : i32
    %dma_start3A_48 = arith.constant 0 : i32
    %dma_start3A_49 = tpu.memref_slice %arg12[%dma_start3A_47, %dma_start3A_48] : memref<2816x128xf32, #tpu.memory_space<vmem_shared>> -> memref<2816x128xf32, #tpu.memory_space<vmem_shared>>
    tpu.enqueue_indirect_dma source(%dma_start3A_49 : memref<2816x128xf32, #tpu.memory_space<vmem_shared>>) target(%dma_start3A_44 : memref<64x128xf32, #tpu.memory_space<vmem>>) offsets(%dma_start3A_46 : memref<64xi32, #tpu.memory_space<vmem>>) semaphore(%arg14 : memref<!tpu.dma_semaphore, #tpu.memory_space<semaphore_mem>>)
    %dma_start3A_50 = arith.constant 2 : i32
    %dma_start3A_51 = arith.constant 0 : i32
    %dma_start3A_52 = arith.constant 0 : i32
    %dma_start3A_53 = tpu.memref_slice %arg11[%dma_start3A_50, %dma_start3A_51, %dma_start3A_52] : memref<8x64x128xf32, #tpu.memory_space<vmem>> -> memref<1x64x128xf32, #tpu.memory_space<vmem>>
    %dma_start3A_54 = tpu.memref_squeeze %dma_start3A_53 : memref<1x64x128xf32, #tpu.memory_space<vmem>> -> memref<64x128xf32, #tpu.memory_space<vmem>>
    %dma_start3A_55 = arith.constant 128 : i32
    %dma_start3A_56 = tpu.memref_slice %arg10[%dma_start3A_55] : memref<512xi32, #tpu.memory_space<vmem>> -> memref<64xi32, #tpu.memory_space<vmem>>
    %dma_start3A_57 = arith.constant 0 : i32
    %dma_start3A_58 = arith.constant 0 : i32
    %dma_start3A_59 = tpu.memref_slice %arg12[%dma_start3A_57, %dma_start3A_58] : memref<2816x128xf32, #tpu.memory_space<vmem_shared>> -> memref<2816x128xf32, #tpu.memory_space<vmem_shared>>
    tpu.enqueue_indirect_dma source(%dma_start3A_59 : memref<2816x128xf32, #tpu.memory_space<vmem_shared>>) target(%dma_start3A_54 : memref<64x128xf32, #tpu.memory_space<vmem>>) offsets(%dma_start3A_56 : memref<64xi32, #tpu.memory_space<vmem>>) semaphore(%arg14 : memref<!tpu.dma_semaphore, #tpu.memory_space<semaphore_mem>>)
    %dma_start3A_60 = arith.constant 3 : i32
    %dma_start3A_61 = arith.constant 0 : i32
    %dma_start3A_62 = arith.constant 0 : i32
    %dma_start3A_63 = tpu.memref_slice %arg11[%dma_start3A_60, %dma_start3A_61, %dma_start3A_62] : memref<8x64x128xf32, #tpu.memory_space<vmem>> -> memref<1x64x128xf32, #tpu.memory_space<vmem>>
    %dma_start3A_64 = tpu.memref_squeeze %dma_start3A_63 : memref<1x64x128xf32, #tpu.memory_space<vmem>> -> memref<64x128xf32, #tpu.memory_space<vmem>>
    %dma_start3A_65 = arith.constant 192 : i32
    %dma_start3A_66 = tpu.memref_slice %arg10[%dma_start3A_65] : memref<512xi32, #tpu.memory_space<vmem>> -> memref<64xi32, #tpu.memory_space<vmem>>
    %dma_start3A_67 = arith.constant 0 : i32
    %dma_start3A_68 = arith.constant 0 : i32
    %dma_start3A_69 = tpu.memref_slice %arg12[%dma_start3A_67, %dma_start3A_68] : memref<2816x128xf32, #tpu.memory_space<vmem_shared>> -> memref<2816x128xf32, #tpu.memory_space<vmem_shared>>
    tpu.enqueue_indirect_dma source(%dma_start3A_69 : memref<2816x128xf32, #tpu.memory_space<vmem_shared>>) target(%dma_start3A_64 : memref<64x128xf32, #tpu.memory_space<vmem>>) offsets(%dma_start3A_66 : memref<64xi32, #tpu.memory_space<vmem>>) semaphore(%arg14 : memref<!tpu.dma_semaphore, #tpu.memory_space<semaphore_mem>>)
    %dma_start3A_70 = arith.constant 4 : i32
    %dma_start3A_71 = arith.constant 0 : i32
    %dma_start3A_72 = arith.constant 0 : i32
    %dma_start3A_73 = tpu.memref_slice %arg11[%dma_start3A_70, %dma_start3A_71, %dma_start3A_72] : memref<8x64x128xf32, #tpu.memory_space<vmem>> -> memref<1x64x128xf32, #tpu.memory_space<vmem>>
    %dma_start3A_74 = tpu.memref_squeeze %dma_start3A_73 : memref<1x64x128xf32, #tpu.memory_space<vmem>> -> memref<64x128xf32, #tpu.memory_space<vmem>>
    %dma_start3A_75 = arith.constant 256 : i32
    %dma_start3A_76 = tpu.memref_slice %arg10[%dma_start3A_75] : memref<512xi32, #tpu.memory_space<vmem>> -> memref<64xi32, #tpu.memory_space<vmem>>
    %dma_start3A_77 = arith.constant 0 : i32
    %dma_start3A_78 = arith.constant 0 : i32
    %dma_start3A_79 = tpu.memref_slice %arg12[%dma_start3A_77, %dma_start3A_78] : memref<2816x128xf32, #tpu.memory_space<vmem_shared>> -> memref<2816x128xf32, #tpu.memory_space<vmem_shared>>
    tpu.enqueue_indirect_dma source(%dma_start3A_79 : memref<2816x128xf32, #tpu.memory_space<vmem_shared>>) target(%dma_start3A_74 : memref<64x128xf32, #tpu.memory_space<vmem>>) offsets(%dma_start3A_76 : memref<64xi32, #tpu.memory_space<vmem>>) semaphore(%arg14 : memref<!tpu.dma_semaphore, #tpu.memory_space<semaphore_mem>>)
    %dma_start3A_80 = arith.constant 5 : i32
    %dma_start3A_81 = arith.constant 0 : i32
    %dma_start3A_82 = arith.constant 0 : i32
    %dma_start3A_83 = tpu.memref_slice %arg11[%dma_start3A_80, %dma_start3A_81, %dma_start3A_82] : memref<8x64x128xf32, #tpu.memory_space<vmem>> -> memref<1x64x128xf32, #tpu.memory_space<vmem>>
    %dma_start3A_84 = tpu.memref_squeeze %dma_start3A_83 : memref<1x64x128xf32, #tpu.memory_space<vmem>> -> memref<64x128xf32, #tpu.memory_space<vmem>>
    %dma_start3A_85 = arith.constant 320 : i32
    %dma_start3A_86 = tpu.memref_slice %arg10[%dma_start3A_85] : memref<512xi32, #tpu.memory_space<vmem>> -> memref<64xi32, #tpu.memory_space<vmem>>
    %dma_start3A_87 = arith.constant 0 : i32
    %dma_start3A_88 = arith.constant 0 : i32
    %dma_start3A_89 = tpu.memref_slice %arg12[%dma_start3A_87, %dma_start3A_88] : memref<2816x128xf32, #tpu.memory_space<vmem_shared>> -> memref<2816x128xf32, #tpu.memory_space<vmem_shared>>
    tpu.enqueue_indirect_dma source(%dma_start3A_89 : memref<2816x128xf32, #tpu.memory_space<vmem_shared>>) target(%dma_start3A_84 : memref<64x128xf32, #tpu.memory_space<vmem>>) offsets(%dma_start3A_86 : memref<64xi32, #tpu.memory_space<vmem>>) semaphore(%arg14 : memref<!tpu.dma_semaphore, #tpu.memory_space<semaphore_mem>>)
    %dma_start3A_90 = arith.constant 6 : i32
    %dma_start3A_91 = arith.constant 0 : i32
    %dma_start3A_92 = arith.constant 0 : i32
    %dma_start3A_93 = tpu.memref_slice %arg11[%dma_start3A_90, %dma_start3A_91, %dma_start3A_92] : memref<8x64x128xf32, #tpu.memory_space<vmem>> -> memref<1x64x128xf32, #tpu.memory_space<vmem>>
    %dma_start3A_94 = tpu.memref_squeeze %dma_start3A_93 : memref<1x64x128xf32, #tpu.memory_space<vmem>> -> memref<64x128xf32, #tpu.memory_space<vmem>>
    %dma_start3A_95 = arith.constant 384 : i32
    %dma_start3A_96 = tpu.memref_slice %arg10[%dma_start3A_95] : memref<512xi32, #tpu.memory_space<vmem>> -> memref<64xi32, #tpu.memory_space<vmem>>
    %dma_start3A_97 = arith.constant 0 : i32
    %dma_start3A_98 = arith.constant 0 : i32
    %dma_start3A_99 = tpu.memref_slice %arg12[%dma_start3A_97, %dma_start3A_98] : memref<2816x128xf32, #tpu.memory_space<vmem_shared>> -> memref<2816x128xf32, #tpu.memory_space<vmem_shared>>
    tpu.enqueue_indirect_dma source(%dma_start3A_99 : memref<2816x128xf32, #tpu.memory_space<vmem_shared>>) target(%dma_start3A_94 : memref<64x128xf32, #tpu.memory_space<vmem>>) offsets(%dma_start3A_96 : memref<64xi32, #tpu.memory_space<vmem>>) semaphore(%arg14 : memref<!tpu.dma_semaphore, #tpu.memory_space<semaphore_mem>>)
    %dma_start3A_100 = arith.constant 7 : i32
    %dma_start3A_101 = arith.constant 0 : i32
    %dma_start3A_102 = arith.constant 0 : i32
    %dma_start3A_103 = tpu.memref_slice %arg11[%dma_start3A_100, %dma_start3A_101, %dma_start3A_102] : memref<8x64x128xf32, #tpu.memory_space<vmem>> -> memref<1x64x128xf32, #tpu.memory_space<vmem>>
    %dma_start3A_104 = tpu.memref_squeeze %dma_start3A_103 : memref<1x64x128xf32, #tpu.memory_space<vmem>> -> memref<64x128xf32, #tpu.memory_space<vmem>>
    %dma_start3A_105 = arith.constant 448 : i32
    %dma_start3A_106 = tpu.memref_slice %arg10[%dma_start3A_105] : memref<512xi32, #tpu.memory_space<vmem>> -> memref<64xi32, #tpu.memory_space<vmem>>
    %dma_start3A_107 = arith.constant 0 : i32
    %dma_start3A_108 = arith.constant 0 : i32
    %dma_start3A_109 = tpu.memref_slice %arg12[%dma_start3A_107, %dma_start3A_108] : memref<2816x128xf32, #tpu.memory_space<vmem_shared>> -> memref<2816x128xf32, #tpu.memory_space<vmem_shared>>
    tpu.enqueue_indirect_dma source(%dma_start3A_109 : memref<2816x128xf32, #tpu.memory_space<vmem_shared>>) target(%dma_start3A_104 : memref<64x128xf32, #tpu.memory_space<vmem>>) offsets(%dma_start3A_106 : memref<64xi32, #tpu.memory_space<vmem>>) semaphore(%arg14 : memref<!tpu.dma_semaphore, #tpu.memory_space<semaphore_mem>>)
    %dma_wait3A_110 = arith.constant 0 : i32
    %dma_wait3A_111 = arith.constant 0 : i32
    %dma_wait3A_112 = arith.constant 0 : i32
    %dma_wait3A_113 = tpu.memref_slice %arg11[%dma_wait3A_110, %dma_wait3A_111, %dma_wait3A_112] : memref<8x64x128xf32, #tpu.memory_space<vmem>> -> memref<1x64x128xf32, #tpu.memory_space<vmem>>
    %dma_wait3A_114 = tpu.memref_squeeze %dma_wait3A_113 : memref<1x64x128xf32, #tpu.memory_space<vmem>> -> memref<64x128xf32, #tpu.memory_space<vmem>>
    %dma_wait3A_115 = arith.constant 0 : i32
    %dma_wait3A_116 = tpu.memref_slice %arg10[%dma_wait3A_115] : memref<512xi32, #tpu.memory_space<vmem>> -> memref<64xi32, #tpu.memory_space<vmem>>
    %dma_wait3A_117 = arith.constant 0 : i32
    %dma_wait3A_118 = arith.constant 0 : i32
    %dma_wait3A_119 = tpu.memref_slice %arg12[%dma_wait3A_117, %dma_wait3A_118] : memref<2816x128xf32, #tpu.memory_space<vmem_shared>> -> memref<2816x128xf32, #tpu.memory_space<vmem_shared>>
    tpu.wait_indirect_dma semaphore(%arg14 : memref<!tpu.dma_semaphore, #tpu.memory_space<semaphore_mem>>) src(%dma_wait3A_119 : memref<2816x128xf32, #tpu.memory_space<vmem_shared>>) dst(%dma_wait3A_114 : memref<64x128xf32, #tpu.memory_space<vmem>>)
    %add3A_120 = arith.constant 0 : i32
    %add3A_121 = arith.addi %mul3A_2, %add3A_120 : i32
    %dma_start3A_122 = arith.constant 0 : i32
    %dma_start3A_123 = arith.constant 0 : i32
    %dma_start3A_124 = arith.constant 0 : i32
    %dma_start3A_125 = tpu.memref_slice %arg11[%dma_start3A_122, %dma_start3A_123, %dma_start3A_124] : memref<8x64x128xf32, #tpu.memory_space<vmem>> -> memref<1x64x128xf32, #tpu.memory_space<vmem>>
    %dma_start3A_126 = tpu.memref_squeeze %dma_start3A_125 : memref<1x64x128xf32, #tpu.memory_space<vmem>> -> memref<64x128xf32, #tpu.memory_space<vmem>>
    %dma_start3A_127 = arith.constant 0 : i32
    %dma_start3A_128 = tpu.memref_slice %arg6[%add3A_121, %dma_start3A_127] : memref<16384x128xf32, #tpu.memory_space<hbm>> -> memref<64x128xf32, #tpu.memory_space<hbm>>
    %dma_start3A_129 = arith.constant 0 : i32
    %dma_start3A_130 = tpu.memref_slice %arg6[%add3A_121, %dma_start3A_129] : memref<16384x128xf32, #tpu.memory_space<hbm>> -> memref<64x128xf32, #tpu.memory_space<hbm>>
    %dma_start3A_131 = arith.constant 0 : i32
    %dma_start3A_132 = arith.constant 0 : i32
    %dma_start3A_133 = tpu.memref_slice %arg11[%dma_start3A_122, %dma_start3A_131, %dma_start3A_132] : memref<8x64x128xf32, #tpu.memory_space<vmem>> -> memref<1x64x128xf32, #tpu.memory_space<vmem>>
    %dma_start3A_134 = tpu.memref_squeeze %dma_start3A_133 : memref<1x64x128xf32, #tpu.memory_space<vmem>> -> memref<64x128xf32, #tpu.memory_space<vmem>>
    tpu.enqueue_dma source(%dma_start3A_134 : memref<64x128xf32, #tpu.memory_space<vmem>>) target(%dma_start3A_130 : memref<64x128xf32, #tpu.memory_space<hbm>>) target_semaphore(%arg15 : memref<!tpu.dma_semaphore, #tpu.memory_space<semaphore_mem>>)
    %dma_wait3A_135 = arith.constant 1 : i32
    %dma_wait3A_136 = arith.constant 0 : i32
    %dma_wait3A_137 = arith.constant 0 : i32
    %dma_wait3A_138 = tpu.memref_slice %arg11[%dma_wait3A_135, %dma_wait3A_136, %dma_wait3A_137] : memref<8x64x128xf32, #tpu.memory_space<vmem>> -> memref<1x64x128xf32, #tpu.memory_space<vmem>>
    %dma_wait3A_139 = tpu.memref_squeeze %dma_wait3A_138 : memref<1x64x128xf32, #tpu.memory_space<vmem>> -> memref<64x128xf32, #tpu.memory_space<vmem>>
    %dma_wait3A_140 = arith.constant 64 : i32
    %dma_wait3A_141 = tpu.memref_slice %arg10[%dma_wait3A_140] : memref<512xi32, #tpu.memory_space<vmem>> -> memref<64xi32, #tpu.memory_space<vmem>>
    %dma_wait3A_142 = arith.constant 0 : i32
    %dma_wait3A_143 = arith.constant 0 : i32
    %dma_wait3A_144 = tpu.memref_slice %arg12[%dma_wait3A_142, %dma_wait3A_143] : memref<2816x128xf32, #tpu.memory_space<vmem_shared>> -> memref<2816x128xf32, #tpu.memory_space<vmem_shared>>
    tpu.wait_indirect_dma semaphore(%arg14 : memref<!tpu.dma_semaphore, #tpu.memory_space<semaphore_mem>>) src(%dma_wait3A_144 : memref<2816x128xf32, #tpu.memory_space<vmem_shared>>) dst(%dma_wait3A_139 : memref<64x128xf32, #tpu.memory_space<vmem>>)
    %add3A_145 = arith.constant 64 : i32
    %add3A_146 = arith.addi %mul3A_2, %add3A_145 : i32
    %dma_start3A_147 = arith.constant 1 : i32
    %dma_start3A_148 = arith.constant 0 : i32
    %dma_start3A_149 = arith.constant 0 : i32
    %dma_start3A_150 = tpu.memref_slice %arg11[%dma_start3A_147, %dma_start3A_148, %dma_start3A_149] : memref<8x64x128xf32, #tpu.memory_space<vmem>> -> memref<1x64x128xf32, #tpu.memory_space<vmem>>
    %dma_start3A_151 = tpu.memref_squeeze %dma_start3A_150 : memref<1x64x128xf32, #tpu.memory_space<vmem>> -> memref<64x128xf32, #tpu.memory_space<vmem>>
    %dma_start3A_152 = arith.constant 0 : i32
    %dma_start3A_153 = tpu.memref_slice %arg6[%add3A_146, %dma_start3A_152] : memref<16384x128xf32, #tpu.memory_space<hbm>> -> memref<64x128xf32, #tpu.memory_space<hbm>>
    %dma_start3A_154 = arith.constant 0 : i32
    %dma_start3A_155 = tpu.memref_slice %arg6[%add3A_146, %dma_start3A_154] : memref<16384x128xf32, #tpu.memory_space<hbm>> -> memref<64x128xf32, #tpu.memory_space<hbm>>
    %dma_start3A_156 = arith.constant 0 : i32
    %dma_start3A_157 = arith.constant 0 : i32
    %dma_start3A_158 = tpu.memref_slice %arg11[%dma_start3A_147, %dma_start3A_156, %dma_start3A_157] : memref<8x64x128xf32, #tpu.memory_space<vmem>> -> memref<1x64x128xf32, #tpu.memory_space<vmem>>
    %dma_start3A_159 = tpu.memref_squeeze %dma_start3A_158 : memref<1x64x128xf32, #tpu.memory_space<vmem>> -> memref<64x128xf32, #tpu.memory_space<vmem>>
    tpu.enqueue_dma source(%dma_start3A_159 : memref<64x128xf32, #tpu.memory_space<vmem>>) target(%dma_start3A_155 : memref<64x128xf32, #tpu.memory_space<hbm>>) target_semaphore(%arg15 : memref<!tpu.dma_semaphore, #tpu.memory_space<semaphore_mem>>)
    %dma_wait3A_160 = arith.constant 2 : i32
    %dma_wait3A_161 = arith.constant 0 : i32
    %dma_wait3A_162 = arith.constant 0 : i32
    %dma_wait3A_163 = tpu.memref_slice %arg11[%dma_wait3A_160, %dma_wait3A_161, %dma_wait3A_162] : memref<8x64x128xf32, #tpu.memory_space<vmem>> -> memref<1x64x128xf32, #tpu.memory_space<vmem>>
    %dma_wait3A_164 = tpu.memref_squeeze %dma_wait3A_163 : memref<1x64x128xf32, #tpu.memory_space<vmem>> -> memref<64x128xf32, #tpu.memory_space<vmem>>
    %dma_wait3A_165 = arith.constant 128 : i32
    %dma_wait3A_166 = tpu.memref_slice %arg10[%dma_wait3A_165] : memref<512xi32, #tpu.memory_space<vmem>> -> memref<64xi32, #tpu.memory_space<vmem>>
    %dma_wait3A_167 = arith.constant 0 : i32
    %dma_wait3A_168 = arith.constant 0 : i32
    %dma_wait3A_169 = tpu.memref_slice %arg12[%dma_wait3A_167, %dma_wait3A_168] : memref<2816x128xf32, #tpu.memory_space<vmem_shared>> -> memref<2816x128xf32, #tpu.memory_space<vmem_shared>>
    tpu.wait_indirect_dma semaphore(%arg14 : memref<!tpu.dma_semaphore, #tpu.memory_space<semaphore_mem>>) src(%dma_wait3A_169 : memref<2816x128xf32, #tpu.memory_space<vmem_shared>>) dst(%dma_wait3A_164 : memref<64x128xf32, #tpu.memory_space<vmem>>)
    %add3A_170 = arith.constant 128 : i32
    %add3A_171 = arith.addi %mul3A_2, %add3A_170 : i32
    %dma_start3A_172 = arith.constant 2 : i32
    %dma_start3A_173 = arith.constant 0 : i32
    %dma_start3A_174 = arith.constant 0 : i32
    %dma_start3A_175 = tpu.memref_slice %arg11[%dma_start3A_172, %dma_start3A_173, %dma_start3A_174] : memref<8x64x128xf32, #tpu.memory_space<vmem>> -> memref<1x64x128xf32, #tpu.memory_space<vmem>>
    %dma_start3A_176 = tpu.memref_squeeze %dma_start3A_175 : memref<1x64x128xf32, #tpu.memory_space<vmem>> -> memref<64x128xf32, #tpu.memory_space<vmem>>
    %dma_start3A_177 = arith.constant 0 : i32
    %dma_start3A_178 = tpu.memref_slice %arg6[%add3A_171, %dma_start3A_177] : memref<16384x128xf32, #tpu.memory_space<hbm>> -> memref<64x128xf32, #tpu.memory_space<hbm>>
    %dma_start3A_179 = arith.constant 0 : i32
    %dma_start3A_180 = tpu.memref_slice %arg6[%add3A_171, %dma_start3A_179] : memref<16384x128xf32, #tpu.memory_space<hbm>> -> memref<64x128xf32, #tpu.memory_space<hbm>>
    %dma_start3A_181 = arith.constant 0 : i32
    %dma_start3A_182 = arith.constant 0 : i32
    %dma_start3A_183 = tpu.memref_slice %arg11[%dma_start3A_172, %dma_start3A_181, %dma_start3A_182] : memref<8x64x128xf32, #tpu.memory_space<vmem>> -> memref<1x64x128xf32, #tpu.memory_space<vmem>>
    %dma_start3A_184 = tpu.memref_squeeze %dma_start3A_183 : memref<1x64x128xf32, #tpu.memory_space<vmem>> -> memref<64x128xf32, #tpu.memory_space<vmem>>
    tpu.enqueue_dma source(%dma_start3A_184 : memref<64x128xf32, #tpu.memory_space<vmem>>) target(%dma_start3A_180 : memref<64x128xf32, #tpu.memory_space<hbm>>) target_semaphore(%arg15 : memref<!tpu.dma_semaphore, #tpu.memory_space<semaphore_mem>>)
    %dma_wait3A_185 = arith.constant 3 : i32
    %dma_wait3A_186 = arith.constant 0 : i32
    %dma_wait3A_187 = arith.constant 0 : i32
    %dma_wait3A_188 = tpu.memref_slice %arg11[%dma_wait3A_185, %dma_wait3A_186, %dma_wait3A_187] : memref<8x64x128xf32, #tpu.memory_space<vmem>> -> memref<1x64x128xf32, #tpu.memory_space<vmem>>
    %dma_wait3A_189 = tpu.memref_squeeze %dma_wait3A_188 : memref<1x64x128xf32, #tpu.memory_space<vmem>> -> memref<64x128xf32, #tpu.memory_space<vmem>>
    %dma_wait3A_190 = arith.constant 192 : i32
    %dma_wait3A_191 = tpu.memref_slice %arg10[%dma_wait3A_190] : memref<512xi32, #tpu.memory_space<vmem>> -> memref<64xi32, #tpu.memory_space<vmem>>
    %dma_wait3A_192 = arith.constant 0 : i32
    %dma_wait3A_193 = arith.constant 0 : i32
    %dma_wait3A_194 = tpu.memref_slice %arg12[%dma_wait3A_192, %dma_wait3A_193] : memref<2816x128xf32, #tpu.memory_space<vmem_shared>> -> memref<2816x128xf32, #tpu.memory_space<vmem_shared>>
    tpu.wait_indirect_dma semaphore(%arg14 : memref<!tpu.dma_semaphore, #tpu.memory_space<semaphore_mem>>) src(%dma_wait3A_194 : memref<2816x128xf32, #tpu.memory_space<vmem_shared>>) dst(%dma_wait3A_189 : memref<64x128xf32, #tpu.memory_space<vmem>>)
    %add3A_195 = arith.constant 192 : i32
    %add3A_196 = arith.addi %mul3A_2, %add3A_195 : i32
    %dma_start3A_197 = arith.constant 3 : i32
    %dma_start3A_198 = arith.constant 0 : i32
    %dma_start3A_199 = arith.constant 0 : i32
    %dma_start3A_200 = tpu.memref_slice %arg11[%dma_start3A_197, %dma_start3A_198, %dma_start3A_199] : memref<8x64x128xf32, #tpu.memory_space<vmem>> -> memref<1x64x128xf32, #tpu.memory_space<vmem>>
    %dma_start3A_201 = tpu.memref_squeeze %dma_start3A_200 : memref<1x64x128xf32, #tpu.memory_space<vmem>> -> memref<64x128xf32, #tpu.memory_space<vmem>>
    %dma_start3A_202 = arith.constant 0 : i32
    %dma_start3A_203 = tpu.memref_slice %arg6[%add3A_196, %dma_start3A_202] : memref<16384x128xf32, #tpu.memory_space<hbm>> -> memref<64x128xf32, #tpu.memory_space<hbm>>
    %dma_start3A_204 = arith.constant 0 : i32
    %dma_start3A_205 = tpu.memref_slice %arg6[%add3A_196, %dma_start3A_204] : memref<16384x128xf32, #tpu.memory_space<hbm>> -> memref<64x128xf32, #tpu.memory_space<hbm>>
    %dma_start3A_206 = arith.constant 0 : i32
    %dma_start3A_207 = arith.constant 0 : i32
    %dma_start3A_208 = tpu.memref_slice %arg11[%dma_start3A_197, %dma_start3A_206, %dma_start3A_207] : memref<8x64x128xf32, #tpu.memory_space<vmem>> -> memref<1x64x128xf32, #tpu.memory_space<vmem>>
    %dma_start3A_209 = tpu.memref_squeeze %dma_start3A_208 : memref<1x64x128xf32, #tpu.memory_space<vmem>> -> memref<64x128xf32, #tpu.memory_space<vmem>>
    tpu.enqueue_dma source(%dma_start3A_209 : memref<64x128xf32, #tpu.memory_space<vmem>>) target(%dma_start3A_205 : memref<64x128xf32, #tpu.memory_space<hbm>>) target_semaphore(%arg15 : memref<!tpu.dma_semaphore, #tpu.memory_space<semaphore_mem>>)
    %dma_wait3A_210 = arith.constant 4 : i32
    %dma_wait3A_211 = arith.constant 0 : i32
    %dma_wait3A_212 = arith.constant 0 : i32
    %dma_wait3A_213 = tpu.memref_slice %arg11[%dma_wait3A_210, %dma_wait3A_211, %dma_wait3A_212] : memref<8x64x128xf32, #tpu.memory_space<vmem>> -> memref<1x64x128xf32, #tpu.memory_space<vmem>>
    %dma_wait3A_214 = tpu.memref_squeeze %dma_wait3A_213 : memref<1x64x128xf32, #tpu.memory_space<vmem>> -> memref<64x128xf32, #tpu.memory_space<vmem>>
    %dma_wait3A_215 = arith.constant 256 : i32
    %dma_wait3A_216 = tpu.memref_slice %arg10[%dma_wait3A_215] : memref<512xi32, #tpu.memory_space<vmem>> -> memref<64xi32, #tpu.memory_space<vmem>>
    %dma_wait3A_217 = arith.constant 0 : i32
    %dma_wait3A_218 = arith.constant 0 : i32
    %dma_wait3A_219 = tpu.memref_slice %arg12[%dma_wait3A_217, %dma_wait3A_218] : memref<2816x128xf32, #tpu.memory_space<vmem_shared>> -> memref<2816x128xf32, #tpu.memory_space<vmem_shared>>
    tpu.wait_indirect_dma semaphore(%arg14 : memref<!tpu.dma_semaphore, #tpu.memory_space<semaphore_mem>>) src(%dma_wait3A_219 : memref<2816x128xf32, #tpu.memory_space<vmem_shared>>) dst(%dma_wait3A_214 : memref<64x128xf32, #tpu.memory_space<vmem>>)
    %add3A_220 = arith.constant 256 : i32
    %add3A_221 = arith.addi %mul3A_2, %add3A_220 : i32
    %dma_start3A_222 = arith.constant 4 : i32
    %dma_start3A_223 = arith.constant 0 : i32
    %dma_start3A_224 = arith.constant 0 : i32
    %dma_start3A_225 = tpu.memref_slice %arg11[%dma_start3A_222, %dma_start3A_223, %dma_start3A_224] : memref<8x64x128xf32, #tpu.memory_space<vmem>> -> memref<1x64x128xf32, #tpu.memory_space<vmem>>
    %dma_start3A_226 = tpu.memref_squeeze %dma_start3A_225 : memref<1x64x128xf32, #tpu.memory_space<vmem>> -> memref<64x128xf32, #tpu.memory_space<vmem>>
    %dma_start3A_227 = arith.constant 0 : i32
    %dma_start3A_228 = tpu.memref_slice %arg6[%add3A_221, %dma_start3A_227] : memref<16384x128xf32, #tpu.memory_space<hbm>> -> memref<64x128xf32, #tpu.memory_space<hbm>>
    %dma_start3A_229 = arith.constant 0 : i32
    %dma_start3A_230 = tpu.memref_slice %arg6[%add3A_221, %dma_start3A_229] : memref<16384x128xf32, #tpu.memory_space<hbm>> -> memref<64x128xf32, #tpu.memory_space<hbm>>
    %dma_start3A_231 = arith.constant 0 : i32
    %dma_start3A_232 = arith.constant 0 : i32
    %dma_start3A_233 = tpu.memref_slice %arg11[%dma_start3A_222, %dma_start3A_231, %dma_start3A_232] : memref<8x64x128xf32, #tpu.memory_space<vmem>> -> memref<1x64x128xf32, #tpu.memory_space<vmem>>
    %dma_start3A_234 = tpu.memref_squeeze %dma_start3A_233 : memref<1x64x128xf32, #tpu.memory_space<vmem>> -> memref<64x128xf32, #tpu.memory_space<vmem>>
    tpu.enqueue_dma source(%dma_start3A_234 : memref<64x128xf32, #tpu.memory_space<vmem>>) target(%dma_start3A_230 : memref<64x128xf32, #tpu.memory_space<hbm>>) target_semaphore(%arg15 : memref<!tpu.dma_semaphore, #tpu.memory_space<semaphore_mem>>)
    %dma_wait3A_235 = arith.constant 5 : i32
    %dma_wait3A_236 = arith.constant 0 : i32
    %dma_wait3A_237 = arith.constant 0 : i32
    %dma_wait3A_238 = tpu.memref_slice %arg11[%dma_wait3A_235, %dma_wait3A_236, %dma_wait3A_237] : memref<8x64x128xf32, #tpu.memory_space<vmem>> -> memref<1x64x128xf32, #tpu.memory_space<vmem>>
    %dma_wait3A_239 = tpu.memref_squeeze %dma_wait3A_238 : memref<1x64x128xf32, #tpu.memory_space<vmem>> -> memref<64x128xf32, #tpu.memory_space<vmem>>
    %dma_wait3A_240 = arith.constant 320 : i32
    %dma_wait3A_241 = tpu.memref_slice %arg10[%dma_wait3A_240] : memref<512xi32, #tpu.memory_space<vmem>> -> memref<64xi32, #tpu.memory_space<vmem>>
    %dma_wait3A_242 = arith.constant 0 : i32
    %dma_wait3A_243 = arith.constant 0 : i32
    %dma_wait3A_244 = tpu.memref_slice %arg12[%dma_wait3A_242, %dma_wait3A_243] : memref<2816x128xf32, #tpu.memory_space<vmem_shared>> -> memref<2816x128xf32, #tpu.memory_space<vmem_shared>>
    tpu.wait_indirect_dma semaphore(%arg14 : memref<!tpu.dma_semaphore, #tpu.memory_space<semaphore_mem>>) src(%dma_wait3A_244 : memref<2816x128xf32, #tpu.memory_space<vmem_shared>>) dst(%dma_wait3A_239 : memref<64x128xf32, #tpu.memory_space<vmem>>)
    %add3A_245 = arith.constant 320 : i32
    %add3A_246 = arith.addi %mul3A_2, %add3A_245 : i32
    %dma_start3A_247 = arith.constant 5 : i32
    %dma_start3A_248 = arith.constant 0 : i32
    %dma_start3A_249 = arith.constant 0 : i32
    %dma_start3A_250 = tpu.memref_slice %arg11[%dma_start3A_247, %dma_start3A_248, %dma_start3A_249] : memref<8x64x128xf32, #tpu.memory_space<vmem>> -> memref<1x64x128xf32, #tpu.memory_space<vmem>>
    %dma_start3A_251 = tpu.memref_squeeze %dma_start3A_250 : memref<1x64x128xf32, #tpu.memory_space<vmem>> -> memref<64x128xf32, #tpu.memory_space<vmem>>
    %dma_start3A_252 = arith.constant 0 : i32
    %dma_start3A_253 = tpu.memref_slice %arg6[%add3A_246, %dma_start3A_252] : memref<16384x128xf32, #tpu.memory_space<hbm>> -> memref<64x128xf32, #tpu.memory_space<hbm>>
    %dma_start3A_254 = arith.constant 0 : i32
    %dma_start3A_255 = tpu.memref_slice %arg6[%add3A_246, %dma_start3A_254] : memref<16384x128xf32, #tpu.memory_space<hbm>> -> memref<64x128xf32, #tpu.memory_space<hbm>>
    %dma_start3A_256 = arith.constant 0 : i32
    %dma_start3A_257 = arith.constant 0 : i32
    %dma_start3A_258 = tpu.memref_slice %arg11[%dma_start3A_247, %dma_start3A_256, %dma_start3A_257] : memref<8x64x128xf32, #tpu.memory_space<vmem>> -> memref<1x64x128xf32, #tpu.memory_space<vmem>>
    %dma_start3A_259 = tpu.memref_squeeze %dma_start3A_258 : memref<1x64x128xf32, #tpu.memory_space<vmem>> -> memref<64x128xf32, #tpu.memory_space<vmem>>
    tpu.enqueue_dma source(%dma_start3A_259 : memref<64x128xf32, #tpu.memory_space<vmem>>) target(%dma_start3A_255 : memref<64x128xf32, #tpu.memory_space<hbm>>) target_semaphore(%arg15 : memref<!tpu.dma_semaphore, #tpu.memory_space<semaphore_mem>>)
    %dma_wait3A_260 = arith.constant 6 : i32
    %dma_wait3A_261 = arith.constant 0 : i32
    %dma_wait3A_262 = arith.constant 0 : i32
    %dma_wait3A_263 = tpu.memref_slice %arg11[%dma_wait3A_260, %dma_wait3A_261, %dma_wait3A_262] : memref<8x64x128xf32, #tpu.memory_space<vmem>> -> memref<1x64x128xf32, #tpu.memory_space<vmem>>
    %dma_wait3A_264 = tpu.memref_squeeze %dma_wait3A_263 : memref<1x64x128xf32, #tpu.memory_space<vmem>> -> memref<64x128xf32, #tpu.memory_space<vmem>>
    %dma_wait3A_265 = arith.constant 384 : i32
    %dma_wait3A_266 = tpu.memref_slice %arg10[%dma_wait3A_265] : memref<512xi32, #tpu.memory_space<vmem>> -> memref<64xi32, #tpu.memory_space<vmem>>
    %dma_wait3A_267 = arith.constant 0 : i32
    %dma_wait3A_268 = arith.constant 0 : i32
    %dma_wait3A_269 = tpu.memref_slice %arg12[%dma_wait3A_267, %dma_wait3A_268] : memref<2816x128xf32, #tpu.memory_space<vmem_shared>> -> memref<2816x128xf32, #tpu.memory_space<vmem_shared>>
    tpu.wait_indirect_dma semaphore(%arg14 : memref<!tpu.dma_semaphore, #tpu.memory_space<semaphore_mem>>) src(%dma_wait3A_269 : memref<2816x128xf32, #tpu.memory_space<vmem_shared>>) dst(%dma_wait3A_264 : memref<64x128xf32, #tpu.memory_space<vmem>>)
    %add3A_270 = arith.constant 384 : i32
    %add3A_271 = arith.addi %mul3A_2, %add3A_270 : i32
    %dma_start3A_272 = arith.constant 6 : i32
    %dma_start3A_273 = arith.constant 0 : i32
    %dma_start3A_274 = arith.constant 0 : i32
    %dma_start3A_275 = tpu.memref_slice %arg11[%dma_start3A_272, %dma_start3A_273, %dma_start3A_274] : memref<8x64x128xf32, #tpu.memory_space<vmem>> -> memref<1x64x128xf32, #tpu.memory_space<vmem>>
    %dma_start3A_276 = tpu.memref_squeeze %dma_start3A_275 : memref<1x64x128xf32, #tpu.memory_space<vmem>> -> memref<64x128xf32, #tpu.memory_space<vmem>>
    %dma_start3A_277 = arith.constant 0 : i32
    %dma_start3A_278 = tpu.memref_slice %arg6[%add3A_271, %dma_start3A_277] : memref<16384x128xf32, #tpu.memory_space<hbm>> -> memref<64x128xf32, #tpu.memory_space<hbm>>
    %dma_start3A_279 = arith.constant 0 : i32
    %dma_start3A_280 = tpu.memref_slice %arg6[%add3A_271, %dma_start3A_279] : memref<16384x128xf32, #tpu.memory_space<hbm>> -> memref<64x128xf32, #tpu.memory_space<hbm>>
    %dma_start3A_281 = arith.constant 0 : i32
    %dma_start3A_282 = arith.constant 0 : i32
    %dma_start3A_283 = tpu.memref_slice %arg11[%dma_start3A_272, %dma_start3A_281, %dma_start3A_282] : memref<8x64x128xf32, #tpu.memory_space<vmem>> -> memref<1x64x128xf32, #tpu.memory_space<vmem>>
    %dma_start3A_284 = tpu.memref_squeeze %dma_start3A_283 : memref<1x64x128xf32, #tpu.memory_space<vmem>> -> memref<64x128xf32, #tpu.memory_space<vmem>>
    tpu.enqueue_dma source(%dma_start3A_284 : memref<64x128xf32, #tpu.memory_space<vmem>>) target(%dma_start3A_280 : memref<64x128xf32, #tpu.memory_space<hbm>>) target_semaphore(%arg15 : memref<!tpu.dma_semaphore, #tpu.memory_space<semaphore_mem>>)
    %dma_wait3A_285 = arith.constant 7 : i32
    %dma_wait3A_286 = arith.constant 0 : i32
    %dma_wait3A_287 = arith.constant 0 : i32
    %dma_wait3A_288 = tpu.memref_slice %arg11[%dma_wait3A_285, %dma_wait3A_286, %dma_wait3A_287] : memref<8x64x128xf32, #tpu.memory_space<vmem>> -> memref<1x64x128xf32, #tpu.memory_space<vmem>>
    %dma_wait3A_289 = tpu.memref_squeeze %dma_wait3A_288 : memref<1x64x128xf32, #tpu.memory_space<vmem>> -> memref<64x128xf32, #tpu.memory_space<vmem>>
    %dma_wait3A_290 = arith.constant 448 : i32
    %dma_wait3A_291 = tpu.memref_slice %arg10[%dma_wait3A_290] : memref<512xi32, #tpu.memory_space<vmem>> -> memref<64xi32, #tpu.memory_space<vmem>>
    %dma_wait3A_292 = arith.constant 0 : i32
    %dma_wait3A_293 = arith.constant 0 : i32
    %dma_wait3A_294 = tpu.memref_slice %arg12[%dma_wait3A_292, %dma_wait3A_293] : memref<2816x128xf32, #tpu.memory_space<vmem_shared>> -> memref<2816x128xf32, #tpu.memory_space<vmem_shared>>
    tpu.wait_indirect_dma semaphore(%arg14 : memref<!tpu.dma_semaphore, #tpu.memory_space<semaphore_mem>>) src(%dma_wait3A_294 : memref<2816x128xf32, #tpu.memory_space<vmem_shared>>) dst(%dma_wait3A_289 : memref<64x128xf32, #tpu.memory_space<vmem>>)
    %add3A_295 = arith.constant 448 : i32
    %add3A_296 = arith.addi %mul3A_2, %add3A_295 : i32
    %dma_start3A_297 = arith.constant 7 : i32
    %dma_start3A_298 = arith.constant 0 : i32
    %dma_start3A_299 = arith.constant 0 : i32
    %dma_start3A_300 = tpu.memref_slice %arg11[%dma_start3A_297, %dma_start3A_298, %dma_start3A_299] : memref<8x64x128xf32, #tpu.memory_space<vmem>> -> memref<1x64x128xf32, #tpu.memory_space<vmem>>
    %dma_start3A_301 = tpu.memref_squeeze %dma_start3A_300 : memref<1x64x128xf32, #tpu.memory_space<vmem>> -> memref<64x128xf32, #tpu.memory_space<vmem>>
    %dma_start3A_302 = arith.constant 0 : i32
    %dma_start3A_303 = tpu.memref_slice %arg6[%add3A_296, %dma_start3A_302] : memref<16384x128xf32, #tpu.memory_space<hbm>> -> memref<64x128xf32, #tpu.memory_space<hbm>>
    %dma_start3A_304 = arith.constant 0 : i32
    %dma_start3A_305 = tpu.memref_slice %arg6[%add3A_296, %dma_start3A_304] : memref<16384x128xf32, #tpu.memory_space<hbm>> -> memref<64x128xf32, #tpu.memory_space<hbm>>
    %dma_start3A_306 = arith.constant 0 : i32
    %dma_start3A_307 = arith.constant 0 : i32
    %dma_start3A_308 = tpu.memref_slice %arg11[%dma_start3A_297, %dma_start3A_306, %dma_start3A_307] : memref<8x64x128xf32, #tpu.memory_space<vmem>> -> memref<1x64x128xf32, #tpu.memory_space<vmem>>
    %dma_start3A_309 = tpu.memref_squeeze %dma_start3A_308 : memref<1x64x128xf32, #tpu.memory_space<vmem>> -> memref<64x128xf32, #tpu.memory_space<vmem>>
    tpu.enqueue_dma source(%dma_start3A_309 : memref<64x128xf32, #tpu.memory_space<vmem>>) target(%dma_start3A_305 : memref<64x128xf32, #tpu.memory_space<hbm>>) target_semaphore(%arg15 : memref<!tpu.dma_semaphore, #tpu.memory_space<semaphore_mem>>)
    %dma_wait3A_310 = arith.constant 0 : i32
    %dma_wait3A_311 = arith.constant 0 : i32
    %dma_wait3A_312 = arith.constant 0 : i32
    %dma_wait3A_313 = tpu.memref_slice %arg11[%dma_wait3A_310, %dma_wait3A_311, %dma_wait3A_312] : memref<8x64x128xf32, #tpu.memory_space<vmem>> -> memref<1x64x128xf32, #tpu.memory_space<vmem>>
    %dma_wait3A_314 = tpu.memref_squeeze %dma_wait3A_313 : memref<1x64x128xf32, #tpu.memory_space<vmem>> -> memref<64x128xf32, #tpu.memory_space<vmem>>
    %dma_wait3A_315 = arith.constant 0 : i32
    %dma_wait3A_316 = tpu.memref_slice %arg6[%add3A_121, %dma_wait3A_315] : memref<16384x128xf32, #tpu.memory_space<hbm>> -> memref<64x128xf32, #tpu.memory_space<hbm>>
    %dma_wait3A_317 = arith.constant 0 : i32
    %dma_wait3A_318 = tpu.memref_slice %arg6[%add3A_121, %dma_wait3A_317] : memref<16384x128xf32, #tpu.memory_space<hbm>> -> memref<64x128xf32, #tpu.memory_space<hbm>>
    %dma_wait3A_319 = arith.constant 0 : i32
    %dma_wait3A_320 = arith.constant 0 : i32
    %dma_wait3A_321 = tpu.memref_slice %arg11[%dma_wait3A_310, %dma_wait3A_319, %dma_wait3A_320] : memref<8x64x128xf32, #tpu.memory_space<vmem>> -> memref<1x64x128xf32, #tpu.memory_space<vmem>>
    %dma_wait3A_322 = tpu.memref_squeeze %dma_wait3A_321 : memref<1x64x128xf32, #tpu.memory_space<vmem>> -> memref<64x128xf32, #tpu.memory_space<vmem>>
    tpu.wait_dma2 semaphore(%arg15 : memref<!tpu.dma_semaphore, #tpu.memory_space<semaphore_mem>>) src(%dma_wait3A_322 : memref<64x128xf32, #tpu.memory_space<vmem>>) dst(%dma_wait3A_318 : memref<64x128xf32, #tpu.memory_space<hbm>>)
    %dma_wait3A_323 = arith.constant 1 : i32
    %dma_wait3A_324 = arith.constant 0 : i32
    %dma_wait3A_325 = arith.constant 0 : i32
    %dma_wait3A_326 = tpu.memref_slice %arg11[%dma_wait3A_323, %dma_wait3A_324, %dma_wait3A_325] : memref<8x64x128xf32, #tpu.memory_space<vmem>> -> memref<1x64x128xf32, #tpu.memory_space<vmem>>
    %dma_wait3A_327 = tpu.memref_squeeze %dma_wait3A_326 : memref<1x64x128xf32, #tpu.memory_space<vmem>> -> memref<64x128xf32, #tpu.memory_space<vmem>>
    %dma_wait3A_328 = arith.constant 0 : i32
    %dma_wait3A_329 = tpu.memref_slice %arg6[%add3A_146, %dma_wait3A_328] : memref<16384x128xf32, #tpu.memory_space<hbm>> -> memref<64x128xf32, #tpu.memory_space<hbm>>
    %dma_wait3A_330 = arith.constant 0 : i32
    %dma_wait3A_331 = tpu.memref_slice %arg6[%add3A_146, %dma_wait3A_330] : memref<16384x128xf32, #tpu.memory_space<hbm>> -> memref<64x128xf32, #tpu.memory_space<hbm>>
    %dma_wait3A_332 = arith.constant 0 : i32
    %dma_wait3A_333 = arith.constant 0 : i32
    %dma_wait3A_334 = tpu.memref_slice %arg11[%dma_wait3A_323, %dma_wait3A_332, %dma_wait3A_333] : memref<8x64x128xf32, #tpu.memory_space<vmem>> -> memref<1x64x128xf32, #tpu.memory_space<vmem>>
    %dma_wait3A_335 = tpu.memref_squeeze %dma_wait3A_334 : memref<1x64x128xf32, #tpu.memory_space<vmem>> -> memref<64x128xf32, #tpu.memory_space<vmem>>
    tpu.wait_dma2 semaphore(%arg15 : memref<!tpu.dma_semaphore, #tpu.memory_space<semaphore_mem>>) src(%dma_wait3A_335 : memref<64x128xf32, #tpu.memory_space<vmem>>) dst(%dma_wait3A_331 : memref<64x128xf32, #tpu.memory_space<hbm>>)
    %dma_wait3A_336 = arith.constant 2 : i32
    %dma_wait3A_337 = arith.constant 0 : i32
    %dma_wait3A_338 = arith.constant 0 : i32
    %dma_wait3A_339 = tpu.memref_slice %arg11[%dma_wait3A_336, %dma_wait3A_337, %dma_wait3A_338] : memref<8x64x128xf32, #tpu.memory_space<vmem>> -> memref<1x64x128xf32, #tpu.memory_space<vmem>>
    %dma_wait3A_340 = tpu.memref_squeeze %dma_wait3A_339 : memref<1x64x128xf32, #tpu.memory_space<vmem>> -> memref<64x128xf32, #tpu.memory_space<vmem>>
    %dma_wait3A_341 = arith.constant 0 : i32
    %dma_wait3A_342 = tpu.memref_slice %arg6[%add3A_171, %dma_wait3A_341] : memref<16384x128xf32, #tpu.memory_space<hbm>> -> memref<64x128xf32, #tpu.memory_space<hbm>>
    %dma_wait3A_343 = arith.constant 0 : i32
    %dma_wait3A_344 = tpu.memref_slice %arg6[%add3A_171, %dma_wait3A_343] : memref<16384x128xf32, #tpu.memory_space<hbm>> -> memref<64x128xf32, #tpu.memory_space<hbm>>
    %dma_wait3A_345 = arith.constant 0 : i32
    %dma_wait3A_346 = arith.constant 0 : i32
    %dma_wait3A_347 = tpu.memref_slice %arg11[%dma_wait3A_336, %dma_wait3A_345, %dma_wait3A_346] : memref<8x64x128xf32, #tpu.memory_space<vmem>> -> memref<1x64x128xf32, #tpu.memory_space<vmem>>
    %dma_wait3A_348 = tpu.memref_squeeze %dma_wait3A_347 : memref<1x64x128xf32, #tpu.memory_space<vmem>> -> memref<64x128xf32, #tpu.memory_space<vmem>>
    tpu.wait_dma2 semaphore(%arg15 : memref<!tpu.dma_semaphore, #tpu.memory_space<semaphore_mem>>) src(%dma_wait3A_348 : memref<64x128xf32, #tpu.memory_space<vmem>>) dst(%dma_wait3A_344 : memref<64x128xf32, #tpu.memory_space<hbm>>)
    %dma_wait3A_349 = arith.constant 3 : i32
    %dma_wait3A_350 = arith.constant 0 : i32
    %dma_wait3A_351 = arith.constant 0 : i32
    %dma_wait3A_352 = tpu.memref_slice %arg11[%dma_wait3A_349, %dma_wait3A_350, %dma_wait3A_351] : memref<8x64x128xf32, #tpu.memory_space<vmem>> -> memref<1x64x128xf32, #tpu.memory_space<vmem>>
    %dma_wait3A_353 = tpu.memref_squeeze %dma_wait3A_352 : memref<1x64x128xf32, #tpu.memory_space<vmem>> -> memref<64x128xf32, #tpu.memory_space<vmem>>
    %dma_wait3A_354 = arith.constant 0 : i32
    %dma_wait3A_355 = tpu.memref_slice %arg6[%add3A_196, %dma_wait3A_354] : memref<16384x128xf32, #tpu.memory_space<hbm>> -> memref<64x128xf32, #tpu.memory_space<hbm>>
    %dma_wait3A_356 = arith.constant 0 : i32
    %dma_wait3A_357 = tpu.memref_slice %arg6[%add3A_196, %dma_wait3A_356] : memref<16384x128xf32, #tpu.memory_space<hbm>> -> memref<64x128xf32, #tpu.memory_space<hbm>>
    %dma_wait3A_358 = arith.constant 0 : i32
    %dma_wait3A_359 = arith.constant 0 : i32
    %dma_wait3A_360 = tpu.memref_slice %arg11[%dma_wait3A_349, %dma_wait3A_358, %dma_wait3A_359] : memref<8x64x128xf32, #tpu.memory_space<vmem>> -> memref<1x64x128xf32, #tpu.memory_space<vmem>>
    %dma_wait3A_361 = tpu.memref_squeeze %dma_wait3A_360 : memref<1x64x128xf32, #tpu.memory_space<vmem>> -> memref<64x128xf32, #tpu.memory_space<vmem>>
    tpu.wait_dma2 semaphore(%arg15 : memref<!tpu.dma_semaphore, #tpu.memory_space<semaphore_mem>>) src(%dma_wait3A_361 : memref<64x128xf32, #tpu.memory_space<vmem>>) dst(%dma_wait3A_357 : memref<64x128xf32, #tpu.memory_space<hbm>>)
    %dma_wait3A_362 = arith.constant 4 : i32
    %dma_wait3A_363 = arith.constant 0 : i32
    %dma_wait3A_364 = arith.constant 0 : i32
    %dma_wait3A_365 = tpu.memref_slice %arg11[%dma_wait3A_362, %dma_wait3A_363, %dma_wait3A_364] : memref<8x64x128xf32, #tpu.memory_space<vmem>> -> memref<1x64x128xf32, #tpu.memory_space<vmem>>
    %dma_wait3A_366 = tpu.memref_squeeze %dma_wait3A_365 : memref<1x64x128xf32, #tpu.memory_space<vmem>> -> memref<64x128xf32, #tpu.memory_space<vmem>>
    %dma_wait3A_367 = arith.constant 0 : i32
    %dma_wait3A_368 = tpu.memref_slice %arg6[%add3A_221, %dma_wait3A_367] : memref<16384x128xf32, #tpu.memory_space<hbm>> -> memref<64x128xf32, #tpu.memory_space<hbm>>
    %dma_wait3A_369 = arith.constant 0 : i32
    %dma_wait3A_370 = tpu.memref_slice %arg6[%add3A_221, %dma_wait3A_369] : memref<16384x128xf32, #tpu.memory_space<hbm>> -> memref<64x128xf32, #tpu.memory_space<hbm>>
    %dma_wait3A_371 = arith.constant 0 : i32
    %dma_wait3A_372 = arith.constant 0 : i32
    %dma_wait3A_373 = tpu.memref_slice %arg11[%dma_wait3A_362, %dma_wait3A_371, %dma_wait3A_372] : memref<8x64x128xf32, #tpu.memory_space<vmem>> -> memref<1x64x128xf32, #tpu.memory_space<vmem>>
    %dma_wait3A_374 = tpu.memref_squeeze %dma_wait3A_373 : memref<1x64x128xf32, #tpu.memory_space<vmem>> -> memref<64x128xf32, #tpu.memory_space<vmem>>
    tpu.wait_dma2 semaphore(%arg15 : memref<!tpu.dma_semaphore, #tpu.memory_space<semaphore_mem>>) src(%dma_wait3A_374 : memref<64x128xf32, #tpu.memory_space<vmem>>) dst(%dma_wait3A_370 : memref<64x128xf32, #tpu.memory_space<hbm>>)
    %dma_wait3A_375 = arith.constant 5 : i32
    %dma_wait3A_376 = arith.constant 0 : i32
    %dma_wait3A_377 = arith.constant 0 : i32
    %dma_wait3A_378 = tpu.memref_slice %arg11[%dma_wait3A_375, %dma_wait3A_376, %dma_wait3A_377] : memref<8x64x128xf32, #tpu.memory_space<vmem>> -> memref<1x64x128xf32, #tpu.memory_space<vmem>>
    %dma_wait3A_379 = tpu.memref_squeeze %dma_wait3A_378 : memref<1x64x128xf32, #tpu.memory_space<vmem>> -> memref<64x128xf32, #tpu.memory_space<vmem>>
    %dma_wait3A_380 = arith.constant 0 : i32
    %dma_wait3A_381 = tpu.memref_slice %arg6[%add3A_246, %dma_wait3A_380] : memref<16384x128xf32, #tpu.memory_space<hbm>> -> memref<64x128xf32, #tpu.memory_space<hbm>>
    %dma_wait3A_382 = arith.constant 0 : i32
    %dma_wait3A_383 = tpu.memref_slice %arg6[%add3A_246, %dma_wait3A_382] : memref<16384x128xf32, #tpu.memory_space<hbm>> -> memref<64x128xf32, #tpu.memory_space<hbm>>
    %dma_wait3A_384 = arith.constant 0 : i32
    %dma_wait3A_385 = arith.constant 0 : i32
    %dma_wait3A_386 = tpu.memref_slice %arg11[%dma_wait3A_375, %dma_wait3A_384, %dma_wait3A_385] : memref<8x64x128xf32, #tpu.memory_space<vmem>> -> memref<1x64x128xf32, #tpu.memory_space<vmem>>
    %dma_wait3A_387 = tpu.memref_squeeze %dma_wait3A_386 : memref<1x64x128xf32, #tpu.memory_space<vmem>> -> memref<64x128xf32, #tpu.memory_space<vmem>>
    tpu.wait_dma2 semaphore(%arg15 : memref<!tpu.dma_semaphore, #tpu.memory_space<semaphore_mem>>) src(%dma_wait3A_387 : memref<64x128xf32, #tpu.memory_space<vmem>>) dst(%dma_wait3A_383 : memref<64x128xf32, #tpu.memory_space<hbm>>)
    %dma_wait3A_388 = arith.constant 6 : i32
    %dma_wait3A_389 = arith.constant 0 : i32
    %dma_wait3A_390 = arith.constant 0 : i32
    %dma_wait3A_391 = tpu.memref_slice %arg11[%dma_wait3A_388, %dma_wait3A_389, %dma_wait3A_390] : memref<8x64x128xf32, #tpu.memory_space<vmem>> -> memref<1x64x128xf32, #tpu.memory_space<vmem>>
    %dma_wait3A_392 = tpu.memref_squeeze %dma_wait3A_391 : memref<1x64x128xf32, #tpu.memory_space<vmem>> -> memref<64x128xf32, #tpu.memory_space<vmem>>
    %dma_wait3A_393 = arith.constant 0 : i32
    %dma_wait3A_394 = tpu.memref_slice %arg6[%add3A_271, %dma_wait3A_393] : memref<16384x128xf32, #tpu.memory_space<hbm>> -> memref<64x128xf32, #tpu.memory_space<hbm>>
    %dma_wait3A_395 = arith.constant 0 : i32
    %dma_wait3A_396 = tpu.memref_slice %arg6[%add3A_271, %dma_wait3A_395] : memref<16384x128xf32, #tpu.memory_space<hbm>> -> memref<64x128xf32, #tpu.memory_space<hbm>>
    %dma_wait3A_397 = arith.constant 0 : i32
    %dma_wait3A_398 = arith.constant 0 : i32
    %dma_wait3A_399 = tpu.memref_slice %arg11[%dma_wait3A_388, %dma_wait3A_397, %dma_wait3A_398] : memref<8x64x128xf32, #tpu.memory_space<vmem>> -> memref<1x64x128xf32, #tpu.memory_space<vmem>>
    %dma_wait3A_400 = tpu.memref_squeeze %dma_wait3A_399 : memref<1x64x128xf32, #tpu.memory_space<vmem>> -> memref<64x128xf32, #tpu.memory_space<vmem>>
    tpu.wait_dma2 semaphore(%arg15 : memref<!tpu.dma_semaphore, #tpu.memory_space<semaphore_mem>>) src(%dma_wait3A_400 : memref<64x128xf32, #tpu.memory_space<vmem>>) dst(%dma_wait3A_396 : memref<64x128xf32, #tpu.memory_space<hbm>>)
    %dma_wait3A_401 = arith.constant 7 : i32
    %dma_wait3A_402 = arith.constant 0 : i32
    %dma_wait3A_403 = arith.constant 0 : i32
    %dma_wait3A_404 = tpu.memref_slice %arg11[%dma_wait3A_401, %dma_wait3A_402, %dma_wait3A_403] : memref<8x64x128xf32, #tpu.memory_space<vmem>> -> memref<1x64x128xf32, #tpu.memory_space<vmem>>
    %dma_wait3A_405 = tpu.memref_squeeze %dma_wait3A_404 : memref<1x64x128xf32, #tpu.memory_space<vmem>> -> memref<64x128xf32, #tpu.memory_space<vmem>>
    %dma_wait3A_406 = arith.constant 0 : i32
    %dma_wait3A_407 = tpu.memref_slice %arg6[%add3A_296, %dma_wait3A_406] : memref<16384x128xf32, #tpu.memory_space<hbm>> -> memref<64x128xf32, #tpu.memory_space<hbm>>
    %dma_wait3A_408 = arith.constant 0 : i32
    %dma_wait3A_409 = tpu.memref_slice %arg6[%add3A_296, %dma_wait3A_408] : memref<16384x128xf32, #tpu.memory_space<hbm>> -> memref<64x128xf32, #tpu.memory_space<hbm>>
    %dma_wait3A_410 = arith.constant 0 : i32
    %dma_wait3A_411 = arith.constant 0 : i32
    %dma_wait3A_412 = tpu.memref_slice %arg11[%dma_wait3A_401, %dma_wait3A_410, %dma_wait3A_411] : memref<8x64x128xf32, #tpu.memory_space<vmem>> -> memref<1x64x128xf32, #tpu.memory_space<vmem>>
    %dma_wait3A_413 = tpu.memref_squeeze %dma_wait3A_412 : memref<1x64x128xf32, #tpu.memory_space<vmem>> -> memref<64x128xf32, #tpu.memory_space<vmem>>
    tpu.wait_dma2 semaphore(%arg15 : memref<!tpu.dma_semaphore, #tpu.memory_space<semaphore_mem>>) src(%dma_wait3A_413 : memref<64x128xf32, #tpu.memory_space<vmem>>) dst(%dma_wait3A_409 : memref<64x128xf32, #tpu.memory_space<hbm>>)
    return
  }
}

</mosaic_0001>

<sc_bundles>
// kernel: kernel.3.cloned.1.call-start
scs
__scs_entry_jumppad:
0x0: {  	(pc) =	sbr.rel $0x88, $3  }
0x1: {  	(tag) =	ssettag $0x0;
	lr =	simm.s32 $0x1  }
0x2: {  	[smem:$0x3F9B] =	sst lr;
	_ =	strace $0xD0000000  }
0x3: {  	_ = 	snop  }
0x4: {  	_ = 	snop  }
0x5: {  	_ = 	snop  }
0x6: {  	_ = 	snop  }
0x7: {  	_ = 	snop  }
__scs_overlays_trampoline_lowered:
0x8: {  	[smem:$0x3FAA] =	sst s0  }
0x9: {  	[smem:$0x3FAB] =	sst s1  }
0xa: {  	[smem:$0x3FAC] =	sst s2  }
0xb: {  	[smem:$0x3FAD] =	sst s3  }
0xc: {  	[smem:$0x3FAE] =	sst s4  }
0xd: {  	[smem:$0x3FAF] =	sst s5  }
0xe: {  	[smem:$0x3FB0] =	sst s6  }
0xf: {  	[smem:$0x3FB1] =	sst s7  }
0x10: {  	[smem:$0x3FB2] =	sst s8  }
0x11: {  	[smem:$0x3FB3] =	sst s9;
	s0 =	simm.s32 @!p0 $0x0  }
0x12: {  	s1 =	sld [smem:$0x3F99];
	s0 =	simm.s32 @p0 $0x1  }
0x13: {  	[smem:$0x3FB4] =	sst s0;
	s0 =	simm.s32 @!p1 $0x0  }
0x14: {  	s2 =	sld [smem:$0x3F98];
	s0 =	simm.s32 @p1 $0x1  }
0x15: {  	[smem:$0x3FB5] =	sst s0;
	s0 =	simm.s32 @!p2 $0x0  }
0x16: {  	s3 =	sld [smem:$0x3FDB];
	s0 =	simm.s32 @p2 $0x1  }
0x17: {  	s4 =	simm.s32 $0x1BF5;
	[smem:$0x3FB7] =	sst s0  }
0x18: {  	s0 =	sld [smem:$0x3F9A];
	_ =	swait.ge [sflag:s4], $0x0  }
0x19: {  	s7 =	sld [smem:$0x3F9B]  }
0x1a: {  	s8 =	sadd.s32 $0xFFFFE003, lr  }
0x1b: {  	s9 =	sadd.s32 $0xFFFFFEF7, lr;
	s5 =	simm.s32 $0xFFFFFFFF;
	p2 =	slt.u32 s8, $0xFFFFF086  }
0x1c: {  	p1 =	slt.u32 s9, $0xF7A;
	s5 =	simm.s32 @!p2 $0x0  }
0x1d: {  	s5 =	simm.s32 @p1 $0x1;
	p0 =	seq.s32 s7, s2  }
0x1e: {  	s7 =	smul.u32 @!p0 $0xF7A, s2;
	p2 =	seq.s32 @!p0 s5, $0x0  }
0x1f: {  	s9 =	smul.u32 $0xF7A, s1;
	s8 =	simm.s32 @!p0 $0x1BF5;
	p2 =	por !p2, p0  }
0x20: {  	[sflag:s8] =	ssyncset.s32 @!p0 $0xFFFFF086;
	s6 =	sadd.s32 @!p0 s3, s7;
	s7 =	simm.s32 @!p0 $0x108  }
0x21: {  	s3 =	sadd.s32 s3, s9;
	s6 =	sadd.s32 @!p0 $0x88, s6;
	s7 =	simm.s32 @p2 $0x1082  }
0x22: {  	[simem:s7], [sflag:s8] =	dma.local @!p0 [hbm:s6], $0xF7A  }
0x23: {  	s9 =	sor.u32 $0xD0000000, s2;
	s6 =	simm.s32 $0x108;
	_ =	swait.ge @!p0 [sflag:s8], $0x0  }
0x24: {  	s3 =	sadd.s32 $0x88, s3;
	s6 =	simm.s32 @!p1 $0x1082;
	[sflag:s4] =	ssyncset.s32 $0xFFFFF086  }
0x25: {  	[simem:s6], [sflag:s4] =	dma.local [hbm:s3], $0xF7A  }
0x26: {  	[smem:$0x3F9B] =	sst s1;
	(tag) =	ssettag s2;
	_ =	strace s9  }
0x27: {  	s1 =	sld [smem:$0x3FAB]  }
0x28: {  	s2 =	sld [smem:$0x3FAC]  }
0x29: {  	s4 =	sld [smem:$0x3FAE]  }
0x2a: {  	p0 =	seq.s32 s5, $0x0;
	s5 =	sld [smem:$0x3FAF]  }
0x2b: {  	s6 =	sld [smem:$0x3FB0]  }
0x2c: {  	s7 =	sld [smem:$0x3FB1]  }
0x2d: {  	s3 =	simm.s32 $0x108;
	s8 =	sld [smem:$0x3FB2]  }
0x2e: {  	s3 =	simm.s32 @!p0 $0x1082;
	s9 =	sld [smem:$0x3FB3]  }
0x2f: {  	lr =	sadd.s32 s0, s3;
	s0 =	sld [smem:$0x3FAA]  }
0x30: {  	s3 =	sld [smem:$0x3FAD]  }
0x31: {  	[smem:$0x3FB6] =	sst s10  }
0x32: {  	s10 =	sld [smem:$0x3FB4];
	_ =	sdelay $0x3  }
0x33: {  	p0 =	seq.s32 s10, $0x1;
	s10 =	sld [smem:$0x3FB6];
	_ =	sdelay $0x3  }
0x34: {  	[smem:$0x3FB6] =	sst s10  }
0x35: {  	s10 =	sld [smem:$0x3FB5];
	_ =	sdelay $0x3  }
0x36: {  	p1 =	seq.s32 s10, $0x1;
	s10 =	sld [smem:$0x3FB6];
	_ =	sdelay $0x3  }
0x37: {  	[smem:$0x3FB6] =	sst s10  }
0x38: {  	s10 =	sld [smem:$0x3FB7]  }
0x39: {  	_ = 	snop;
	(pc) =	sbr.ind lr, $3  }
0x3a: {  	_ = 	snop  }
0x3b: {  	_ = 	snop  }
0x3c: {  	p2 =	seq.s32 s10, $0x1;
	s10 =	sld [smem:$0x3FB6]  }
0x3d: {  	_ =	shalt  }
0x3e: {  	_ =	shalt  }
0x3f: {  	_ =	shalt  }
0x40: {  	_ =	shalt  }
0x41: {  	_ =	shalt  }
0x42: {  	_ =	shalt  }
0x43: {  	_ =	shalt  }
0x44: {  	_ =	shalt  }
0x45: {  	_ =	shalt  }
0x46: {  	_ =	shalt  }
0x47: {  	_ =	shalt  }
0x48: {  	_ =	shalt  }
0x49: {  	_ =	shalt  }
0x4a: {  	_ =	shalt  }
0x4b: {  	_ =	shalt  }
0x4c: {  	_ =	shalt  }
0x4d: {  	_ =	shalt  }
0x4e: {  	_ =	shalt  }
0x4f: {  	_ =	shalt  }
0x50: {  	_ =	shalt  }
0x51: {  	_ =	shalt  }
0x52: {  	_ =	shalt  }
0x53: {  	_ =	shalt  }
0x54: {  	_ =	shalt  }
0x55: {  	_ =	shalt  }
0x56: {  	_ =	shalt  }
0x57: {  	_ =	shalt  }
0x58: {  	_ =	shalt  }
0x59: {  	_ =	shalt  }
0x5a: {  	_ =	shalt  }
0x5b: {  	_ =	shalt  }
0x5c: {  	_ =	shalt  }
0x5d: {  	_ =	shalt  }
0x5e: {  	_ =	shalt  }
0x5f: {  	_ =	shalt  }
0x60: {  	_ =	shalt  }
0x61: {  	_ =	shalt  }
0x62: {  	_ =	shalt  }
0x63: {  	_ =	shalt  }
0x64: {  	_ =	shalt  }
0x65: {  	_ =	shalt  }
0x66: {  	_ =	shalt  }
0x67: {  	_ =	shalt  }
0x68: {  	_ =	shalt  }
0x69: {  	_ =	shalt  }
0x6a: {  	_ =	shalt  }
0x6b: {  	_ =	shalt  }
0x6c: {  	_ =	shalt  }
0x6d: {  	_ =	shalt  }
0x6e: {  	_ =	shalt  }
0x6f: {  	_ =	shalt  }
0x70: {  	_ =	shalt  }
0x71: {  	_ =	shalt  }
0x72: {  	_ =	shalt  }
0x73: {  	_ =	shalt  }
0x74: {  	_ =	shalt  }
0x75: {  	_ =	shalt  }
0x76: {  	_ =	shalt  }
0x77: {  	_ =	shalt  }
0x78: {  	_ =	shalt  }
0x79: {  	_ =	shalt  }
0x7a: {  	_ =	shalt  }
0x7b: {  	_ =	shalt  }
0x7c: {  	_ =	shalt  }
0x7d: {  	_ =	shalt  }
0x7e: {  	_ =	shalt  }
0x7f: {  	_ =	shalt  }
0x80: {  	_ =	shalt  }
0x81: {  	_ =	shalt  }
0x82: {  	_ =	shalt  }
0x83: {  	_ =	shalt  }
0x84: {  	_ =	shalt  }
0x85: {  	_ =	shalt  }
0x86: {  	_ =	shalt  }
0x87: {  	_ =	shalt  }
.Lfunc_end0:
.L_simem_size_0:
called_computation_lowered:
.L_overlay_start_0:
0x88: {  	s2 =	sld [smem:$0x3FD9]  }
0x89: {  	s3 =	sld [smem:$0x3FFE];
	_ =	sdelay $0x1  }
0x8a: {  	s1 =	srdreg.scid  }
0x8b: {  	s0 =	sand.u32 $0x1, s1  }
0x8c: {  	s17 =	sshll.u32 s0, $0xA;
	s2 =	sadd.s32 s3, s2  }
0x8d: {  	s2 =	sadd.s32 s2, s17  }
0x8e: {  	[smem:$0x3FC2] =	sst s2  }
0x8f: {  	_ = 	snop  }
0x90: {  	s2 =	sld [smem:$0x3FC9]  }
0x91: {  	s18 =	sld [smem:$0x3FC8]  }
0x92: {  	s4 =	sld [smem:$0x3FC7]  }
0x93: {  	s5 =	sld [smem:$0x3FD0];
	(tm) =	ssettm $0x1  }
0x94: {  	s6 =	sld [smem:$0x3FFB];
	_ =	sdelay $0x3  }
0x95: {  	_ =	strace s6  }
0x96: {  	s6 =	sld [smem:$0x3FFC];
	_ =	sdelay $0x3  }
0x97: {  	_ =	strace s6  }
0x98: {  	s6 =	sld [smem:$0x3FFD];
	_ =	sdelay $0x3  }
0x99: {  	_ =	strace s6  }
0x9a: {  	_ =	strace $0x8FFFFFFF  }
0x9b: {  	s19 =	sld [smem:$0x3FDB];
	_ =	sdelay $0x1  }
0x9c: {  	s7 =	simm.s32 $_scs_section_size  }
0x9d: {  	s8 =	simm.s32 $_size__tile_overlayer_lowered;
	s9 =	simm.s32 $_tile_overlayer_lowered  }
0x9e: {  	s22 =	simm.s32 $0x1BFF;
	s21 =	sshll.u32 s9, $0x1;
	s6 =	sadd.s32 s7, s19  }
0x9f: {  	s10 =	simm.s32 $0x0;
	s20 =	sshll.u32 s8, $0x1;
	s8 =	sadd.s32 s21, s6  }
0xa0: {  	[timem:s10], [sflag:s22] =	dma.local [hbm:s8], s20  }
0xa1: {  	_ =	swait.ge [sflag:s22], s20  }
0xa2: {  	s7 =	ssub.s32 $0x0, s20;
	[sflag:s22] =	ssyncset.done $0x0  }
0xa3: {  	[sflag:s22] =	ssyncadd.s32 s7;
	_ =	sdelay $0x1  }
0xa4: {  	s23 =	simm.s32 $0x1B8B  }
0xa5: {  	_ =	swait.ge [sflag:s23], $0x1  }
0xa6: {  	[sflag:s23] =	ssyncset.done $0x0  }
0xa7: {  	s25 =	simm.s32 $0x1B8E;
	s24 =	sld [smem:$0x3FFE];
	[sflag:s23] =	ssyncadd.s32 $0xFFFFFFFF  }
0xa8: {  	s26 =	simm.s32 $execute0_lowered;
	[smem:$0x3FD2] =	sst s25  }
0xa9: {  	s8 =	sshll.u32 s26, $0x1;
	_ =	strace $0x80000046;
	[dreg:$0x1] =	wrdreg $0xFFFFFFFF  }
0xaa: {  	s28 =	simm.s32 $_size_execute0_lowered;
	s6 =	sadd.s32 s6, s8;
	[dreg:$0x0] =	wrdreg $0x0  }
0xab: {  	s8 =	sshll.u32 s28, $0x1;
	[dreg:$0x2] =	wrdreg s6  }
0xac: {  	[dreg:$0x3] =	wrdreg s8  }
0xad: {  	[dreg:$0x4] =	wrdreg $0xC0  }
0xae: {  	_ =	task [dreg:s10], $0x5FFFF  }
0xaf: {  	[dreg:$0x1] =	wrdreg $0xFFFFFFFF  }
0xb0: {  	[dreg:$0x0] =	wrdreg $0x60  }
0xb1: {  	[dreg:$0x2] =	wrdreg s2  }
0xb2: {  	[dreg:$0x3] =	wrdreg s18  }
0xb3: {  	[dreg:$0x4] =	wrdreg s4  }
0xb4: {  	[dreg:$0x5] =	wrdreg s24  }
0xb5: {  	[dreg:$0x6] =	wrdreg s5  }
0xb6: {  	[dreg:$0x7] =	wrdreg $0x108000  }
0xb7: {  	[dreg:$0x8] =	wrdreg $0x9  }
0xb8: {  	_ =	task.clear_ibuf [dreg:s10], $0x9FFFF;
	_ =	strace $0x90000046  }
0xb9: {  	s29 =	simm.s32 $0x9;
	_ =	strace $0x80000048  }
0xba: {  	_ =	swait.ge [sflag:s29], $0x1  }
0xbb: {  	[sflag:s29] =	ssyncadd.s32 $0xFFFFFFFF  }
0xbc: {  	_ =	strace $0x90000048  }
0xbd: {  	_ =	sfence  }
0xbe: {  	s30 =	sld [smem:$0x0];
	_ =	sdelay $0x2  }
0xbf: {  	s31 =	sshll.u32 s1, $0xD;
	s1 =	sshrl.u32 s1, $0x2  }
0xc0: {  	s3 =	sand.u32 $0x4000, s31;
	s1 =	sadd.s32 s1, s30  }
0xc1: {  	s0 =	sor.u32 s3, s0;
	s1 =	sshll.u32 s1, $0x11  }
0xc2: {  	s0 =	sor.u32 s1, s0  }
0xc3: {  	s0 =	sadd.s32 $0x8F2B, s0  }
0xc4: {  	[sflag:s0] =	ssyncadd.remote.s32 $0x1  }
0xc5: {  	_ =	sfence.sel $0xFFFF  }
0xc6: {  	[dreg:$0x0] =	wrdreg $0xFFFFFFFF;
	(pc) =	sbr.abs _section_cstart, $3  }
0xc7: {  	[dreg:$0x1] =	wrdreg $0xFFFFFFFF  }
0xc8: {  	_ =	task.clear_ibuf [dreg:s10], $0x2FFFF;
	_ =	strace $0x9FFFFFFF  }
0xc9: {  	(tm) =	ssettm $0x7FFFFFFF  }
tec
execute0_lowered:
.L_overlay_start_1:
0x0: {  	(tag) =	ssettag $0x1  }
0x1: {  	s0 =	rddreg [dreg:$0x0]  }
0x2: {  	s1 =	rddreg [dreg:$0x1]  }
0x3: {  	s4 =	rddreg [dreg:$0x2]  }
0x4: {  	s5 =	rddreg [dreg:$0x3]  }
0x5: {  	s8 =	rddreg [dreg:$0x4]  }
0x6: {  	s2 =	rddreg [dreg:$0x5];
	s3 =	simm.s32 $0x0;
	s12 =	stileid.u32  }
0x7: {  	s6 =	srdreg.scid;
	s21 =	simm.s32 $0x1;
	s28 =	simm.s32 $0x2800  }
0x8: {  	s30 =	simm.s32 $0x4800;
	s18 =	simm.s32 $0x8800;
	s29 =	simm.s32 $0xC800  }
0x9: {  	s19 =	simm.s32 $0x3;
	[smem:$0x7FF] =	sst s3;
	s7 =	smul.u32 $0xB00, s12  }
0xa: {  	s6 =	sand.u32 $0x1, s6;
	s10 =	sshll.u32 s12, $0xA;
	s22 =	smul.u32 $0x16000, s12  }
0xb: {  	s31 =	sshll.u32 s12, $0x6;
	s9 =	ssub.s32 $0x2, s6;
	s6 =	sshll.u32 s6, $0x9  }
0xc: {  	_ =	strace $0x80000047;
	s11 =	sshrl.u32 s9, $0x1;
	s10 =	sor.u32 s6, s10  }
0xd: {  	s7 =	sadd.s32 s7, s5;
	s25 =	sshrl.u32 s22, $0x2;
	s22 =	simm.s32 $0x2  }
0xe: {  	s17 =	ssub.s32 s9, s11;
	s23 =	sshrl.u32 s10, $0x3;
	s26 =	sshll.u32 s10, $0x4  }
0xf: {  	s7 =	sadd.s32 $0x800, s7;
	s9 =	sor.u32 $0x1C02, s31;
	s0 =	sadd.s32 s0, s23  }
0x10: {  	s24 =	sadd.s32 s1, s23;
	s6 =	sadd.s32 s4, s23;
	s8 =	sadd.s32 s8, s26  }
0x11: {  	s17 =	smax.u32 s17, $0x1;
	s23 =	simm.s32 $0x40;
	[dreg:$0x7] =	wrdreg s0  }
0x12: {  	s1 =	simm.s32 $0xE800;
	s26 =	simm.s32 $0x0;
	[dreg:$0x8] =	wrdreg s24  }
0x13: {  	s0 =	sadd.s32 s25, s2;
	s10 =	sadd.s32 $0x400, s8;
	s11 =	sadd.s32 $0x800, s8  }
0x14: {  	s12 =	sadd.s32 $0xC00, s8;
	s13 =	sadd.s32 $0x1000, s8;
	s14 =	sadd.s32 $0x1400, s8  }
0x15: {  	s15 =	sadd.s32 $0x1800, s8;
	s16 =	sadd.s32 $0x1C00, s8;
	s25 =	simm.s32 $0x800  }
0x16: {  	s24 =	simm.s32 $0xA800;
	s20 =	sshrl.u32 s0, $0x3;
	s0 =	simm.s32 $0x6800  }
.LBB2_1:
0x17: {  	s4 =	rddreg [dreg:$0x7]  }
0x18: {  	[tilespmem:s3], [sflag:$0x1] =	stream.linear.gather [hbm4b:s4+s3], $0x200, $0x38;
	[tilespmem:$0x16000] =	vst v63  }
0x19: {  	s5 =	simm.s32 $0x200;
	s4 =	rddreg [dreg:$0x8]  }
0x1a: {  	[tilespmem:s5], [sflag:$0x1] =	stream.linear.gather [hbm4b:s4+s3], $0x200, $0x38;
	[tilespmem:$0x16000] =	vst v63  }
0x1b: {  	s5 =	simm.s32 $0x400  }
0x1c: {  	[tilespmem:s5], [sflag:$0x1] =	stream.linear.gather [hbm4b:s6+s3], $0x200, $0x38;
	[tilespmem:$0x16000] =	vst v63  }
0x1d: {  	[spmem:s20], [sflag:s9] =	dma.local [hbm:s7], $0xB00  }
0x1e: {  	_ =	swait.ge [sflag:s21], $0x200  }
0x1f: {  	[sflag:s21] =	ssyncset.done $0x0  }
0x20: {  	[sflag:s21] =	ssyncadd.s32 $0xFFFFFE00  }
0x21: {  	_ =	swait.ge [sflag:s21], $0x200  }
0x22: {  	[sflag:s21] =	ssyncset.done $0x0  }
0x23: {  	[sflag:s21] =	ssyncadd.s32 $0xFFFFFE00  }
0x24: {  	_ =	swait.ge [sflag:s21], $0x200  }
0x25: {  	[sflag:s21] =	ssyncset.done $0x0  }
0x26: {  	s31 =	simm.s32 $0x0;
	[sflag:s21] =	ssyncadd.s32 $0xFFFFFE00  }
0x27: {  	v0 =	vld [tilespmem:s31+$0x0]  }
0x28: {  	v1 =	vld [tilespmem:s31+$0x200];
	_ =	sdelay $0x2  }
0x29: {  	s4 =	simm.s32 $0x40;
	v2 =	vld [tilespmem:s31+$0x400]  }
.LBB2_2:
0x2a: {  	s5 =	sshra.s32 s4, $0x2;
	p0 =	sne.s32 s4, $0x7C0  }
.Ltmp0:
0x2b: {  	s4 =	sadd.s32 $0x40, s4;
	v3 =	vmul.u32 $0x578, v0;
	v0 =	vld [tilespmem:s5+$0x0];
	v4 =	vmul.u32 $0xC8, v1;
	(pc) =	sbr.rel @p0 .LBB2_2-.Ltmp0, $4  }
0x2c: {  	v1 =	vld [tilespmem:s5+$0x200]  }
0x2d: {  	v3 =	vadd.s32 v3, v4  }
0x2e: {  	v3 =	vadd.s32 v2, v3  }
0x2f: {  	v2 =	vld [tilespmem:s5+$0x400];
	[tilespmem:s31+$0x600] =	vst v3;
	s31 =	smov.u32 s5  }
0x30: {  	_ = 	snop  }
0x31: {  	v0 =	vmul.u32 $0x578, v0;
	v1 =	vmul.u32 $0xC8, v1;
	_ =	sdelay $0x1  }
0x32: {  	v0 =	vadd.s32 v0, v1  }
0x33: {  	v0 =	vadd.s32 v2, v0  }
0x34: {  	[tilespmem:s31+$0x600] =	vst v0  }
0x35: {  	_ =	swait.ge [sflag:s22], $0xB00  }
0x36: {  	[sflag:s22] =	ssyncset.done $0x0  }
0x37: {  	[sflag:s22] =	ssyncadd.s32 $0xFFFFF500  }
0x38: {  	s4 =	simm.s32 $0x600;
	[bflag:$0x0] =	sbarrier.arrive $0xFFFF  }
0x39: {  	[tilespmem:s25], [sflag:$0x2] =	stream.indirect.gather [spmem:s2], $0x80, s4, s23, $0xb8;
	[tilespmem:$0x16000] =	vst v63  }
0x3a: {  	s31 =	simm.s32 $0x640  }
0x3b: {  	[tilespmem:s28], [sflag:$0x2] =	stream.indirect.gather [spmem:s2], $0x80, s31, s23, $0xb8;
	[tilespmem:$0x16000] =	vst v63  }
0x3c: {  	s5 =	simm.s32 $0x680  }
0x3d: {  	[tilespmem:s30], [sflag:$0x2] =	stream.indirect.gather [spmem:s2], $0x80, s5, s23, $0xb8;
	[tilespmem:$0x16000] =	vst v63  }
0x3e: {  	s31 =	simm.s32 $0x6C0  }
0x3f: {  	[tilespmem:s0], [sflag:$0x2] =	stream.indirect.gather [spmem:s2], $0x80, s31, s23, $0xb8;
	[tilespmem:$0x16000] =	vst v63  }
0x40: {  	s5 =	simm.s32 $0x700  }
0x41: {  	[tilespmem:s18], [sflag:$0x2] =	stream.indirect.gather [spmem:s2], $0x80, s5, s23, $0xb8;
	[tilespmem:$0x16000] =	vst v63  }
0x42: {  	s31 =	simm.s32 $0x740  }
0x43: {  	[tilespmem:s24], [sflag:$0x2] =	stream.indirect.gather [spmem:s2], $0x80, s31, s23, $0xb8;
	[tilespmem:$0x16000] =	vst v63  }
0x44: {  	s5 =	simm.s32 $0x780  }
0x45: {  	[tilespmem:s29], [sflag:$0x2] =	stream.indirect.gather [spmem:s2], $0x80, s5, s23, $0xb8;
	[tilespmem:$0x16000] =	vst v63  }
0x46: {  	s31 =	simm.s32 $0x7C0  }
0x47: {  	[tilespmem:s1], [sflag:$0x2] =	stream.indirect.gather [spmem:s2], $0x80, s31, s23, $0xb8;
	[tilespmem:$0x16000] =	vst v63  }
0x48: {  	_ =	swait.ge [sflag:s22], $0x2000  }
0x49: {  	[sflag:s22] =	ssyncset.done $0x0  }
0x4a: {  	[sflag:s22] =	ssyncadd.s32 $0xFFFFE000  }
0x4b: {  	[hbm4b:s8+s3] =	stream.linear.scatter [tilespmem:s25], [sflag:$0x3], $0x2000, $0x38;
	[tilespmem:$0x16000] =	vst v63  }
0x4c: {  	_ =	swait.ge [sflag:s22], $0x2000  }
0x4d: {  	[sflag:s22] =	ssyncset.done $0x0  }
0x4e: {  	[sflag:s22] =	ssyncadd.s32 $0xFFFFE000  }
0x4f: {  	[hbm4b:s10+s3] =	stream.linear.scatter [tilespmem:s28], [sflag:$0x3], $0x2000, $0x38;
	[tilespmem:$0x16000] =	vst v63  }
0x50: {  	_ =	swait.ge [sflag:s22], $0x2000  }
0x51: {  	[sflag:s22] =	ssyncset.done $0x0  }
0x52: {  	[sflag:s22] =	ssyncadd.s32 $0xFFFFE000  }
0x53: {  	[hbm4b:s11+s3] =	stream.linear.scatter [tilespmem:s30], [sflag:$0x3], $0x2000, $0x38;
	[tilespmem:$0x16000] =	vst v63  }
0x54: {  	_ =	swait.ge [sflag:s22], $0x2000  }
0x55: {  	[sflag:s22] =	ssyncset.done $0x0  }
0x56: {  	[sflag:s22] =	ssyncadd.s32 $0xFFFFE000  }
0x57: {  	[hbm4b:s12+s3] =	stream.linear.scatter [tilespmem:s0], [sflag:$0x3], $0x2000, $0x38;
	[tilespmem:$0x16000] =	vst v63  }
0x58: {  	_ =	swait.ge [sflag:s22], $0x2000  }
0x59: {  	[sflag:s22] =	ssyncset.done $0x0  }
0x5a: {  	[sflag:s22] =	ssyncadd.s32 $0xFFFFE000  }
0x5b: {  	[hbm4b:s13+s3] =	stream.linear.scatter [tilespmem:s18], [sflag:$0x3], $0x2000, $0x38;
	[tilespmem:$0x16000] =	vst v63  }
0x5c: {  	_ =	swait.ge [sflag:s22], $0x2000  }
0x5d: {  	[sflag:s22] =	ssyncset.done $0x0  }
0x5e: {  	[sflag:s22] =	ssyncadd.s32 $0xFFFFE000  }
0x5f: {  	[hbm4b:s14+s3] =	stream.linear.scatter [tilespmem:s24], [sflag:$0x3], $0x2000, $0x38;
	[tilespmem:$0x16000] =	vst v63  }
0x60: {  	_ =	swait.ge [sflag:s22], $0x2000  }
0x61: {  	[sflag:s22] =	ssyncset.done $0x0  }
0x62: {  	[sflag:s22] =	ssyncadd.s32 $0xFFFFE000  }
0x63: {  	[hbm4b:s15+s3] =	stream.linear.scatter [tilespmem:s29], [sflag:$0x3], $0x2000, $0x38;
	[tilespmem:$0x16000] =	vst v63  }
0x64: {  	_ =	swait.ge [sflag:s22], $0x2000  }
0x65: {  	[sflag:s22] =	ssyncset.done $0x0  }
0x66: {  	[sflag:s22] =	ssyncadd.s32 $0xFFFFE000  }
0x67: {  	[hbm4b:s16+s3] =	stream.linear.scatter [tilespmem:s1], [sflag:$0x3], $0x2000, $0x38;
	[tilespmem:$0x16000] =	vst v63  }
0x68: {  	_ =	swait.ge [sflag:s19], $0x2000  }
0x69: {  	[sflag:s19] =	ssyncset.done $0x0  }
0x6a: {  	[sflag:s19] =	ssyncadd.s32 $0xFFFFE000  }
0x6b: {  	_ =	swait.ge [sflag:s19], $0x2000  }
0x6c: {  	[sflag:s19] =	ssyncset.done $0x0  }
0x6d: {  	[sflag:s19] =	ssyncadd.s32 $0xFFFFE000  }
0x6e: {  	_ =	swait.ge [sflag:s19], $0x2000  }
0x6f: {  	[sflag:s19] =	ssyncset.done $0x0  }
0x70: {  	[sflag:s19] =	ssyncadd.s32 $0xFFFFE000  }
0x71: {  	_ =	swait.ge [sflag:s19], $0x2000  }
0x72: {  	[sflag:s19] =	ssyncset.done $0x0  }
0x73: {  	[sflag:s19] =	ssyncadd.s32 $0xFFFFE000  }
0x74: {  	_ =	swait.ge [sflag:s19], $0x2000  }
0x75: {  	[sflag:s19] =	ssyncset.done $0x0  }
0x76: {  	[sflag:s19] =	ssyncadd.s32 $0xFFFFE000  }
0x77: {  	_ =	swait.ge [sflag:s19], $0x2000  }
0x78: {  	[sflag:s19] =	ssyncset.done $0x0  }
0x79: {  	s26 =	sadd.s32 $0x1, s26;
	[sflag:s19] =	ssyncadd.s32 $0xFFFFE000  }
0x7a: {  	p0 =	sne.s32 s26, s17;
	_ =	swait.ge [sflag:s19], $0x2000  }
.Ltmp1:
0x7b: {  	[sflag:s19] =	ssyncset.done $0x0;
	(pc) =	sbr.rel @p0 .LBB2_1-.Ltmp1, $4  }
0x7c: {  	[sflag:s19] =	ssyncadd.s32 $0xFFFFE000  }
0x7d: {  	_ =	swait.ge [sflag:s19], $0x2000  }
0x7e: {  	[sflag:s19] =	ssyncset.done $0x0  }
0x7f: {  	[sflag:s19] =	ssyncadd.s32 $0xFFFFE000  }
0x80: {  	_ =	sfence.sel $0x180000  }
0x81: {  	[bflag:$0x0] =	sbarrier.arrive $0xFFFF  }
0x82: {  	_ =	strace $0x90000047  }
0x83: {  	s0 =	stileid.u32;
	[bflag:$0x2] =	sbarrier.arrive $0xFFFF  }
0x84: {  	p0 =	sne.s32 s0, $0x0;
	s0 =	rddreg [dreg:$0x6]  }
0x85: {  	s0 =	sadd.s32 @!p0 $0x100000, s0  }
0x86: {  	[sflag:s0] =	ssyncadd.tile.s32 @!p0 $0x1;
	_ =	shalt  }
.Lfunc_end2:
_tile_overlayer_lowered:
.L_overlay_start_2:
0x87: {  	(tag) =	ssettag $0x2  }
0x88: {  	s0 =	rddreg [dreg:$0x0];
	s2 =	stileid.u32  }
0x89: {  	s1 =	rddreg [dreg:$0x1];
	p0 =	sne.s32 s2, $0x0  }
0x8a: {  	s3 =	rddreg [dreg:$0x2];
	[bflag:$0x3] =	sbarrier.arrive $0xFFFF;
	s2 =	simm.s32 @!p0 $0x1C04  }
0x8b: {  	[timem:s3], [sflag:s2] =	dma.local @!p0 [hbm:s0], s1  }
0x8c: {  	s0 =	simm.s32 @!p0 $0x4  }
0x8d: {  	_ =	swait.ge @!p0 [sflag:s0], s1  }
0x8e: {  	s1 =	ssub.s32 @!p0 $0x0, s1;
	[sflag:s0] =	ssyncset.done @!p0 $0x0  }
0x8f: {  	[sflag:s0] =	ssyncadd.s32 @!p0 s1  }
0x90: {  	[bflag:$0x3] =	sbarrier.arrive $0xFFFF  }
0x91: {  	_ =	shalt  }

</sc_bundles>
